<compile_context>
chip_gen: v7x
topology: tpu7x:2x2x1
jax: 0.10.2.dev20260603
libtpu: 0.0.44.dev20260713+nightly
codegen_flags: <defaults>
</compile_context>

<pallas_src>
import functools

import jax
import jax.numpy as jnp
from jax import lax
from jax.experimental import pallas as pl
from jax.experimental.pallas import tpu as pltpu
from jax.experimental.pallas import tpu_sc as plsc

K = 16
ROW_BLOCK = 1024


def _knn_block_kernel(rows_ref, pts_ref, dist_ref, idx_ref):
    rows = rows_ref[...]
    pts = pts_ref[...]
    r = rows.shape[0]
    n = pts.shape[0]
    ng = n // 128

    sq_r = jnp.sum(rows * rows, axis=1, keepdims=True)
    sq_p = jnp.sum(pts * pts, axis=1, keepdims=True)
    dot = jax.lax.dot_general(
        rows * -2.0, pts, (((1,), (1,)), ((), ())),
        preferred_element_type=jnp.float32)
    sq_rb = sq_r + 1.0
    sq_pr = sq_p.reshape(1, n)
    low_mask = jnp.int32(ng - 1)

    def packed_chunk(c):
        sl = slice(c * 128, (c + 1) * 128)
        d2c = jnp.maximum(sq_rb + sq_pr[:, sl] + dot[:, sl], 1.0)
        return jax.lax.bitcast_convert_type(
            jax.lax.bitwise_or(
                jax.lax.bitwise_and(
                    jax.lax.bitcast_convert_type(d2c, jnp.int32), ~low_mask),
                jnp.int32(c)),
            jnp.float32)

    lane_iota_i = jax.lax.broadcasted_iota(jnp.int32, (r, 128), 1)
    lane_iota = lane_iota_i.astype(jnp.float32)
    inf = jnp.float32(jnp.inf)

    def ce(a, b):
        return jnp.minimum(a, b), jnp.maximum(a, b)

    def merge22(a, b):
        lo1, hi1 = ce(a[0], b[0])
        lo2, hi2 = ce(a[1], b[1])
        mid1, mid2 = ce(hi1, lo2)
        return [lo1, mid1, mid2, hi2]

    def merge44_top4(a, b):
        c = [jnp.minimum(a[i], b[3 - i]) for i in range(4)]
        c[0], c[2] = ce(c[0], c[2])
        c[1], c[3] = ce(c[1], c[3])
        c[0], c[1] = ce(c[0], c[1])
        c[2], c[3] = ce(c[2], c[3])
        return c

    chunks = [packed_chunk(c) for c in range(ng)]
    s2 = [list(ce(chunks[2 * i], chunks[2 * i + 1])) for i in range(8)]
    s4 = [merge22(s2[2 * i], s2[2 * i + 1]) for i in range(4)]
    t4 = [merge44_top4(s4[2 * i], s4[2 * i + 1]) for i in range(2)]
    stack = merge44_top4(t4[0], t4[1])
    P = 4

    pk_cols = []
    lane_cols = []
    for _ in range(K):
        pk = jnp.min(stack[0], axis=1, keepdims=True)
        lane_f = jnp.min(jnp.where(stack[0] == pk, lane_iota, inf),
                         axis=1, keepdims=True)
        pk_cols.append(pk)
        lane_cols.append(lane_f)
        popm = lane_iota == lane_f
        for i in range(P - 1):
            stack[i] = jnp.where(popm, stack[i + 1], stack[i])
        stack[P - 1] = jnp.where(popm, inf, stack[P - 1])

    pks = jax.lax.bitcast_convert_type(
        jnp.concatenate(pk_cols, axis=1), jnp.int32)
    lanes = jnp.concatenate(lane_cols, axis=1).astype(jnp.int32)
    grp = jax.lax.bitwise_and(pks, low_mask)
    dist_ref[...] = jax.lax.bitcast_convert_type(
        jax.lax.bitwise_and(pks, ~low_mask), jnp.float32) - 1.0
    idx_ref[...] = grp * 128 + lanes


@functools.cache
def _dst_sc_kernel(total):
    info = plsc.get_sparse_core_info()
    nc, ns = info.num_cores, info.num_subcores
    nw = nc * ns
    per_w = total // nw
    nvec = per_w // 16
    mesh = plsc.VectorSubcoreMesh(core_axis_name="c", subcore_axis_name="s")

    @functools.partial(
        pl.kernel, mesh=mesh,
        out_type=jax.ShapeDtypeStruct((total,), jnp.int32),
        scratch_types=[
            pltpu.VMEM((16,), jnp.int32),
            pltpu.VMEM((per_w,), jnp.int32),
        ],
    )
    def k(corr_hbm, out_hbm, corr_v, out_v):
        wid = lax.axis_index("s") * nc + lax.axis_index("c")
        base = wid * per_w
        pltpu.sync_copy(corr_hbm.at[wid], corr_v)
        cv = corr_v[...]
        base_row = base // 16

        def body(j, carry):
            out_v[pl.ds(j * 16, 16)] = cv + (base_row + j)
            return carry

        lax.fori_loop(0, nvec, body, 0)
        pltpu.sync_copy(out_v, out_hbm.at[pl.ds(base, per_w)])

    return k


def kernel(input, segs):
    m, d = input.shape
    nseg = segs.shape[0]
    n = m // nseg
    nb = n // ROW_BLOCK

    grid = (nseg, nb)
    dist, idx = pl.pallas_call(
        _knn_block_kernel,
        grid=grid,
        in_specs=[
            pl.BlockSpec((ROW_BLOCK, d), lambda s, b: (s * nb + b, 0)),
            pl.BlockSpec((n, d), lambda s, b: (s, 0)),
        ],
        out_specs=[
            pl.BlockSpec((ROW_BLOCK, K), lambda s, b: (s * nb + b, 0)),
            pl.BlockSpec((ROW_BLOCK, K), lambda s, b: (s * nb + b, 0)),
        ],
        out_shape=[
            jax.ShapeDtypeStruct((m, K), jnp.float32),
            jax.ShapeDtypeStruct((m, K), jnp.int32),
        ],
        compiler_params=pltpu.CompilerParams(
            dimension_semantics=("parallel", "parallel"),
        ),
    )(input, input)

    offsets = jnp.concatenate(
        [jnp.zeros((1,), dtype=segs.dtype), jnp.cumsum(segs)])
    row_off = jnp.repeat(offsets[:-1], n)
    src = (idx + row_off[:, None]).astype(jnp.int64).reshape(-1)

    total = m * K
    seg_corr = (offsets[:-1] - jnp.arange(nseg, dtype=offsets.dtype) * n)
    wseg = jnp.arange(32, dtype=jnp.int32) * (total // 32) // (n * K)
    corr = jnp.broadcast_to(
        seg_corr.astype(jnp.int32)[wseg][:, None], (32, 16))
    dst = _dst_sc_kernel(total)(corr).astype(jnp.int64)
    return src, dst, dist

# --- scband reference (transcript-rebuilt; emitter-appended) ---
"""Pipeline reference for scband-segmented-nearest-neighbor-graph-50560355008513 (READ-ONLY COPY).

The authoritative reference and input builder live on the scoring server;
editing this copy changes nothing except your own understanding.
"""

import jax, jax.numpy as jnp
import numpy as np

K = 16

def setup_inputs(seed: int = 0) -> dict:
    key = jax.random.key(seed)
    x = jax.random.normal(key, (16384, 64), dtype=jnp.float32)
    # 8 point sets of 2048 points each (elements sum to M=16384)
    segs = jnp.full((8,), 2048, dtype=jnp.int64)
    return {"input": x, "segs": segs}

def reference(input, segs):
    nseg = segs.shape[0]
    n = input.shape[0] // nseg
    offsets = jnp.concatenate([jnp.zeros((1,), dtype=segs.dtype), jnp.cumsum(segs)])
    src_list, dst_list, dist_list = [], [], []
    for i in range(nseg):
        s = i * n
        pts = input[s:s + n]
        sq = jnp.sum(pts * pts, axis=1)
        d2 = sq[:, None] + sq[None, :] - 2.0 * (pts @ pts.T)
        neg_d, idx = jax.lax.top_k(-d2, K)  # k nearest (incl. self), per point
        dst = jnp.repeat(jnp.arange(n, dtype=jnp.int64) + offsets[i], K)
        src = (idx.astype(jnp.int64) + offsets[i]).reshape(-1)
        src_list.append(src)
        dst_list.append(dst)
        dist_list.append(-neg_d)
    src = jnp.concatenate(src_list)
    dst = jnp.concatenate(dst_list)
    knn_dist = jnp.concatenate(dist_list, axis=0)
    return src, dst, knn_dist

if __name__ == "__main__":
    import jax
    _d = setup_inputs()
    print(jax.jit(kernel)(*tuple(_d.values())))

</pallas_src>

<mosaic_0001>
#map = affine_map<(d0, d1) -> (0, 0)>
#map1 = affine_map<(d0, d1) -> (0)>
module attributes {stable_mosaic.version = 14 : i64} {
  func.func @k(%arg0: i32, %arg1: i32, %arg2: memref<32x16xi32, #tpu.memory_space<hbm>>, %arg3: memref<262144xi32, #tpu.memory_space<hbm>>, %arg4: memref<16xi32, #tpu.memory_space<vmem>>, %arg5: memref<8192xi32, #tpu.memory_space<vmem>>) attributes {dimension_semantics = [#tpu.dimension_semantics<core_parallel>, #tpu.dimension_semantics<subcore_parallel>], iteration_bounds = array<i64: 2, 16>, scalar_prefetch = 0 : i64, scratch_operands = 2 : i64, tpu.core_type = #tpu.core_type<sc_vector_subcore>, window_params = [{transform_indices = #map}, {transform_indices = #map1}]} {
    %mul3A = arith.constant 2 : i32
    %mul3A_0 = arith.muli %arg1, %mul3A : i32
    %add3A = arith.addi %mul3A_0, %arg0 : i32
    %mul3A_1 = arith.constant 8192 : i32
    %mul3A_2 = arith.muli %add3A, %mul3A_1 : i32
    "tpu.region"() ({
      %run_scoped3A = tpu.sem_alloc : memref<!tpu.dma_semaphore, #tpu.memory_space<semaphore_mem>>
      %dma_start3A = arith.constant 0 : i32
      %dma_start3A_26 = tpu.memref_slice %arg2[%add3A, %dma_start3A] : memref<32x16xi32, #tpu.memory_space<hbm>> -> memref<1x16xi32, #tpu.memory_space<hbm>>
      %dma_start3A_27 = tpu.memref_squeeze %dma_start3A_26 : memref<1x16xi32, #tpu.memory_space<hbm>> -> memref<16xi32, #tpu.memory_space<hbm>>
      %dma_start3A_28 = arith.constant 0 : i32
      %dma_start3A_29 = tpu.memref_slice %arg2[%add3A, %dma_start3A_28] : memref<32x16xi32, #tpu.memory_space<hbm>> -> memref<1x16xi32, #tpu.memory_space<hbm>>
      %dma_start3A_30 = tpu.memref_squeeze %dma_start3A_29 : memref<1x16xi32, #tpu.memory_space<hbm>> -> memref<16xi32, #tpu.memory_space<hbm>>
      tpu.enqueue_dma source(%dma_start3A_30 : memref<16xi32, #tpu.memory_space<hbm>>) target(%arg4 : memref<16xi32, #tpu.memory_space<vmem>>) target_semaphore(%run_scoped3A : memref<!tpu.dma_semaphore, #tpu.memory_space<semaphore_mem>>)
      %dma_wait3A = arith.constant 0 : i32
      %dma_wait3A_31 = tpu.memref_slice %arg2[%add3A, %dma_wait3A] : memref<32x16xi32, #tpu.memory_space<hbm>> -> memref<1x16xi32, #tpu.memory_space<hbm>>
      %dma_wait3A_32 = tpu.memref_squeeze %dma_wait3A_31 : memref<1x16xi32, #tpu.memory_space<hbm>> -> memref<16xi32, #tpu.memory_space<hbm>>
      %dma_wait3A_33 = arith.constant 0 : i32
      %dma_wait3A_34 = tpu.memref_slice %arg2[%add3A, %dma_wait3A_33] : memref<32x16xi32, #tpu.memory_space<hbm>> -> memref<1x16xi32, #tpu.memory_space<hbm>>
      %dma_wait3A_35 = tpu.memref_squeeze %dma_wait3A_34 : memref<1x16xi32, #tpu.memory_space<hbm>> -> memref<16xi32, #tpu.memory_space<hbm>>
      tpu.wait_dma2 semaphore(%run_scoped3A : memref<!tpu.dma_semaphore, #tpu.memory_space<semaphore_mem>>) src(%dma_wait3A_35 : memref<16xi32, #tpu.memory_space<hbm>>) dst(%arg4 : memref<16xi32, #tpu.memory_space<vmem>>)
      tpu.yield
    }) : () -> ()
    %get3A = arith.constant 0 : index
    %get3A_3 = tpu.vector_load %arg4[%get3A] {strides = array<i32>} : memref<16xi32, #tpu.memory_space<vmem>>, vector<16xi32>,
    %get3A_4 = vector.shape_cast %get3A_3 : vector<16xi32> to vector<16xi32>
    %jit3A = arith.constant 16 : i32
    %div3A = arith.divsi %mul3A_2, %jit3A : i32
    %sign3A = arith.constant 0 : i32
    %sign3A_5 = arith.cmpi sgt, %mul3A_2, %sign3A : i32
    %sign3A_6 = arith.extui %sign3A_5 : i1 to i32
    %sign3A_7 = arith.constant 0 : i32
    %sign3A_8 = arith.cmpi slt, %mul3A_2, %sign3A_7 : i32
    %sign3A_9 = arith.extui %sign3A_8 : i1 to i32
    %sign3A_10 = arith.subi %sign3A_6, %sign3A_9 : i32
    %sign3A_11 = arith.constant 0 : i32
    %sign3A_12 = arith.cmpi sgt, %jit3A, %sign3A_11 : i32
    %sign3A_13 = arith.extui %sign3A_12 : i1 to i32
    %sign3A_14 = arith.constant 0 : i32
    %sign3A_15 = arith.cmpi slt, %jit3A, %sign3A_14 : i32
    %sign3A_16 = arith.extui %sign3A_15 : i1 to i32
    %sign3A_17 = arith.subi %sign3A_13, %sign3A_16 : i32
    %ne3A = arith.cmpi ne, %sign3A_10, %sign3A_17 : i32
    %rem3A = arith.remsi %mul3A_2, %jit3A : i32
    %ne3A_18 = arith.constant 0 : i32
    %ne3A_19 = arith.cmpi ne, %rem3A, %ne3A_18 : i32
    %and3A = arith.andi %ne3A, %ne3A_19 : i1
    %sub3A = arith.constant 1 : i32
    %sub3A_20 = arith.subi %div3A, %sub3A : i32
    %select_n3A = arith.select %and3A, %sub3A_20, %div3A : i32
    %scan3A = arith.constant 0 : i32
    %scan3A_21 = arith.constant 0 : i32
    %scan3A_22 = arith.constant 512 : i32
    %scan3A_23 = arith.addi %scan3A_21, %scan3A_22 : i32
    %scan3A_24 = arith.constant 1 : i32
    scf.for %scan3A_26 = %scan3A_21 to %scan3A_23 step %scan3A_24  : i32 {
      %add3A_27 = arith.addi %select_n3A, %scan3A_26 : i32
      %add3A_28 = vector.broadcast %add3A_27 : i32 to vector<16xi32>
      %add3A_29 = arith.addi %get3A_4, %add3A_28 : vector<16xi32>
      %mul3A_30 = arith.constant 16 : i32
      %mul3A_31 = arith.muli %scan3A_26, %mul3A_30 : i32
      %swap3A = arith.index_cast %mul3A_31 : i32 to index
      %swap3A_32 = tpu.vector_load %arg5[%swap3A] {strides = array<i32>} : memref<8192xi32, #tpu.memory_space<vmem>>, vector<16xi32>,
      %swap3A_33 = vector.shape_cast %swap3A_32 : vector<16xi32> to vector<16xi32>
      %swap3A_34 = vector.shape_cast %add3A_29 : vector<16xi32> to vector<16xi32>
      tpu.vector_store %arg5[%swap3A], %swap3A_34 {strides = array<i32>} : memref<8192xi32, #tpu.memory_space<vmem>>, vector<16xi32>,
    }
    %scan3A_25 = arith.constant 512 : i32
    "tpu.region"() ({
      %run_scoped3A = tpu.sem_alloc : memref<!tpu.dma_semaphore, #tpu.memory_space<semaphore_mem>>
      %dma_start3A = tpu.memref_slice %arg3[%mul3A_2] : memref<262144xi32, #tpu.memory_space<hbm>> -> memref<8192xi32, #tpu.memory_space<hbm>>
      %dma_start3A_26 = tpu.memref_slice %arg3[%mul3A_2] : memref<262144xi32, #tpu.memory_space<hbm>> -> memref<8192xi32, #tpu.memory_space<hbm>>
      tpu.enqueue_dma source(%arg5 : memref<8192xi32, #tpu.memory_space<vmem>>) target(%dma_start3A_26 : memref<8192xi32, #tpu.memory_space<hbm>>) target_semaphore(%run_scoped3A : memref<!tpu.dma_semaphore, #tpu.memory_space<semaphore_mem>>)
      %dma_wait3A = tpu.memref_slice %arg3[%mul3A_2] : memref<262144xi32, #tpu.memory_space<hbm>> -> memref<8192xi32, #tpu.memory_space<hbm>>
      %dma_wait3A_27 = tpu.memref_slice %arg3[%mul3A_2] : memref<262144xi32, #tpu.memory_space<hbm>> -> memref<8192xi32, #tpu.memory_space<hbm>>
      tpu.wait_dma2 semaphore(%run_scoped3A : memref<!tpu.dma_semaphore, #tpu.memory_space<semaphore_mem>>) src(%arg5 : memref<8192xi32, #tpu.memory_space<vmem>>) dst(%dma_wait3A_27 : memref<8192xi32, #tpu.memory_space<hbm>>)
      tpu.yield
    }) : () -> ()
    return
  }
}

module attributes {stable_mosaic.version = 14 : i64} {
  func.func @_knn_block_kernel(%arg0: i32, %arg1: i32, %arg2: memref<1024x64xf32, #tpu.memory_space<vmem>>, %arg3: memref<2048x64xf32, #tpu.memory_space<vmem>>, %arg4: memref<1024x16xf32, #tpu.memory_space<vmem>>, %arg5: memref<1024x16xi32, #tpu.memory_space<vmem>>) attributes {dimension_semantics = [#tpu.dimension_semantics<parallel>, #tpu.dimension_semantics<parallel>], iteration_bounds = array<i64: 8, 2>, scalar_prefetch = 0 : i64, scratch_operands = 0 : i64, tpu.core_type = #tpu.core_type<tc>, window_params = [{transform_indices = @transform_0, window_bounds = array<i64: 1024, 64>}, {transform_indices = @transform_1, window_bounds = array<i64: 2048, 64>}, {transform_indices = @transform_2, window_bounds = array<i64: 1024, 16>}, {transform_indices = @transform_3, window_bounds = array<i64: 1024, 16>}]} {
    %get3A = arith.constant 0 : index
    %get3A_0 = arith.constant 0 : index
    %get3A_1 = vector.load %arg2[%get3A, %get3A_0] : memref<1024x64xf32, #tpu.memory_space<vmem>>, vector<1024x64xf32>
    %get3A_2 = arith.constant 0 : index
    %get3A_3 = arith.constant 0 : index
    %get3A_4 = vector.load %arg3[%get3A_2, %get3A_3] : memref<2048x64xf32, #tpu.memory_space<vmem>>, vector<2048x64xf32>
    %mul3A = arith.mulf %get3A_1, %get3A_1 : vector<1024x64xf32>
    %reduce_sum3A = arith.constant dense<0.000000e+00> : vector<1024xf32>
    %reduce_sum3A_5 = vector.multi_reduction <add>, %mul3A, %reduce_sum3A [1] : vector<1024x64xf32> to vector<1024xf32>
    %broadcast_in_dim3A = vector.shape_cast %reduce_sum3A_5 : vector<1024xf32> to vector<1024x1xf32>
    %mul3A_6 = arith.mulf %get3A_4, %get3A_4 : vector<2048x64xf32>
    %reduce_sum3A_7 = arith.constant dense<0.000000e+00> : vector<2048xf32>
    %reduce_sum3A_8 = vector.multi_reduction <add>, %mul3A_6, %reduce_sum3A_7 [1] : vector<2048x64xf32> to vector<2048xf32>
    %broadcast_in_dim3A_9 = vector.shape_cast %reduce_sum3A_8 : vector<2048xf32> to vector<2048x1xf32>
    %mul3A_10 = arith.constant -2.000000e+00 : f32
    %mul3A_11 = vector.broadcast %mul3A_10 : f32 to vector<1024x64xf32>
    %mul3A_12 = arith.mulf %get3A_1, %mul3A_11 : vector<1024x64xf32>
    %dot_general3A = arith.constant dense<0.000000e+00> : vector<1024x2048xf32>
    %dot_general3A_13 = tpu.matmul %mul3A_12, %get3A_4, %dot_general3A {dimension_numbers = #tpu.dot_dimension_numbers<[1], [1], [0], [0], [0, 0, 1, 0], [], []>, transpose_lhs_hint = false} : vector<1024x64xf32>, vector<2048x64xf32>, vector<1024x2048xf32> -> vector<1024x2048xf32>
    %add3A = arith.constant 1.000000e+00 : f32
    %add3A_14 = vector.broadcast %add3A : f32 to vector<1024x1xf32>
    %add3A_15 = arith.addf %broadcast_in_dim3A, %add3A_14 : vector<1024x1xf32>
    %reshape3A = vector.shape_cast %broadcast_in_dim3A_9 : vector<2048x1xf32> to vector<1x2048xf32>
    %iota3A = tpu.iota {dimensions = array<i32: 1>} : vector<1024x128xi32>
    %convert_element_type3A = arith.sitofp %iota3A : vector<1024x128xi32> to vector<1024x128xf32>
    %slice3A = vector.extract_strided_slice %reshape3A {offsets = [0, 0], sizes = [1, 128], strides = [1, 1]} : vector<1x2048xf32> to vector<1x128xf32>
    %add3A_16 = vector.broadcast %add3A_15 : vector<1024x1xf32> to vector<1024x128xf32>
    %add3A_17 = vector.broadcast %slice3A : vector<1x128xf32> to vector<1024x128xf32>
    %add3A_18 = arith.addf %add3A_16, %add3A_17 : vector<1024x128xf32>
    %slice3A_19 = vector.extract_strided_slice %dot_general3A_13 {offsets = [0, 0], sizes = [1024, 128], strides = [1, 1]} : vector<1024x2048xf32> to vector<1024x128xf32>
    %add3A_20 = arith.addf %add3A_18, %slice3A_19 : vector<1024x128xf32>
    %max3A = arith.constant 1.000000e+00 : f32
    %max3A_21 = vector.broadcast %max3A : f32 to vector<1024x128xf32>
    %max3A_22 = arith.maximumf %add3A_20, %max3A_21 : vector<1024x128xf32>
    %bitcast_convert_type3A = tpu.bitcast %max3A_22 : vector<1024x128xf32> -> vector<1024x128xi32>
    %not3A = arith.constant 15 : i32
    %not3A_23 = arith.constant -1 : i32
    %not3A_24 = arith.xori %not3A, %not3A_23 : i32
    %and3A = vector.broadcast %not3A_24 : i32 to vector<1024x128xi32>
    %and3A_25 = arith.andi %bitcast_convert_type3A, %and3A : vector<1024x128xi32>
    %or3A = arith.constant 0 : i32
    %or3A_26 = vector.broadcast %or3A : i32 to vector<1024x128xi32>
    %or3A_27 = arith.ori %and3A_25, %or3A_26 : vector<1024x128xi32>
    %bitcast_convert_type3A_28 = tpu.bitcast %or3A_27 : vector<1024x128xi32> -> vector<1024x128xf32>
    %slice3A_29 = vector.extract_strided_slice %reshape3A {offsets = [0, 128], sizes = [1, 128], strides = [1, 1]} : vector<1x2048xf32> to vector<1x128xf32>
    %add3A_30 = vector.broadcast %add3A_15 : vector<1024x1xf32> to vector<1024x128xf32>
    %add3A_31 = vector.broadcast %slice3A_29 : vector<1x128xf32> to vector<1024x128xf32>
    %add3A_32 = arith.addf %add3A_30, %add3A_31 : vector<1024x128xf32>
    %slice3A_33 = vector.extract_strided_slice %dot_general3A_13 {offsets = [0, 128], sizes = [1024, 128], strides = [1, 1]} : vector<1024x2048xf32> to vector<1024x128xf32>
    %add3A_34 = arith.addf %add3A_32, %slice3A_33 : vector<1024x128xf32>
    %max3A_35 = arith.constant 1.000000e+00 : f32
    %max3A_36 = vector.broadcast %max3A_35 : f32 to vector<1024x128xf32>
    %max3A_37 = arith.maximumf %add3A_34, %max3A_36 : vector<1024x128xf32>
    %bitcast_convert_type3A_38 = tpu.bitcast %max3A_37 : vector<1024x128xf32> -> vector<1024x128xi32>
    %not3A_39 = arith.constant 15 : i32
    %not3A_40 = arith.constant -1 : i32
    %not3A_41 = arith.xori %not3A_39, %not3A_40 : i32
    %and3A_42 = vector.broadcast %not3A_41 : i32 to vector<1024x128xi32>
    %and3A_43 = arith.andi %bitcast_convert_type3A_38, %and3A_42 : vector<1024x128xi32>
    %or3A_44 = arith.constant 1 : i32
    %or3A_45 = vector.broadcast %or3A_44 : i32 to vector<1024x128xi32>
    %or3A_46 = arith.ori %and3A_43, %or3A_45 : vector<1024x128xi32>
    %bitcast_convert_type3A_47 = tpu.bitcast %or3A_46 : vector<1024x128xi32> -> vector<1024x128xf32>
    %slice3A_48 = vector.extract_strided_slice %reshape3A {offsets = [0, 256], sizes = [1, 128], strides = [1, 1]} : vector<1x2048xf32> to vector<1x128xf32>
    %add3A_49 = vector.broadcast %add3A_15 : vector<1024x1xf32> to vector<1024x128xf32>
    %add3A_50 = vector.broadcast %slice3A_48 : vector<1x128xf32> to vector<1024x128xf32>
    %add3A_51 = arith.addf %add3A_49, %add3A_50 : vector<1024x128xf32>
    %slice3A_52 = vector.extract_strided_slice %dot_general3A_13 {offsets = [0, 256], sizes = [1024, 128], strides = [1, 1]} : vector<1024x2048xf32> to vector<1024x128xf32>
    %add3A_53 = arith.addf %add3A_51, %slice3A_52 : vector<1024x128xf32>
    %max3A_54 = arith.constant 1.000000e+00 : f32
    %max3A_55 = vector.broadcast %max3A_54 : f32 to vector<1024x128xf32>
    %max3A_56 = arith.maximumf %add3A_53, %max3A_55 : vector<1024x128xf32>
    %bitcast_convert_type3A_57 = tpu.bitcast %max3A_56 : vector<1024x128xf32> -> vector<1024x128xi32>
    %not3A_58 = arith.constant 15 : i32
    %not3A_59 = arith.constant -1 : i32
    %not3A_60 = arith.xori %not3A_58, %not3A_59 : i32
    %and3A_61 = vector.broadcast %not3A_60 : i32 to vector<1024x128xi32>
    %and3A_62 = arith.andi %bitcast_convert_type3A_57, %and3A_61 : vector<1024x128xi32>
    %or3A_63 = arith.constant 2 : i32
    %or3A_64 = vector.broadcast %or3A_63 : i32 to vector<1024x128xi32>
    %or3A_65 = arith.ori %and3A_62, %or3A_64 : vector<1024x128xi32>
    %bitcast_convert_type3A_66 = tpu.bitcast %or3A_65 : vector<1024x128xi32> -> vector<1024x128xf32>
    %slice3A_67 = vector.extract_strided_slice %reshape3A {offsets = [0, 384], sizes = [1, 128], strides = [1, 1]} : vector<1x2048xf32> to vector<1x128xf32>
    %add3A_68 = vector.broadcast %add3A_15 : vector<1024x1xf32> to vector<1024x128xf32>
    %add3A_69 = vector.broadcast %slice3A_67 : vector<1x128xf32> to vector<1024x128xf32>
    %add3A_70 = arith.addf %add3A_68, %add3A_69 : vector<1024x128xf32>
    %slice3A_71 = vector.extract_strided_slice %dot_general3A_13 {offsets = [0, 384], sizes = [1024, 128], strides = [1, 1]} : vector<1024x2048xf32> to vector<1024x128xf32>
    %add3A_72 = arith.addf %add3A_70, %slice3A_71 : vector<1024x128xf32>
    %max3A_73 = arith.constant 1.000000e+00 : f32
    %max3A_74 = vector.broadcast %max3A_73 : f32 to vector<1024x128xf32>
    %max3A_75 = arith.maximumf %add3A_72, %max3A_74 : vector<1024x128xf32>
    %bitcast_convert_type3A_76 = tpu.bitcast %max3A_75 : vector<1024x128xf32> -> vector<1024x128xi32>
    %not3A_77 = arith.constant 15 : i32
    %not3A_78 = arith.constant -1 : i32
    %not3A_79 = arith.xori %not3A_77, %not3A_78 : i32
    %and3A_80 = vector.broadcast %not3A_79 : i32 to vector<1024x128xi32>
    %and3A_81 = arith.andi %bitcast_convert_type3A_76, %and3A_80 : vector<1024x128xi32>
    %or3A_82 = arith.constant 3 : i32
    %or3A_83 = vector.broadcast %or3A_82 : i32 to vector<1024x128xi32>
    %or3A_84 = arith.ori %and3A_81, %or3A_83 : vector<1024x128xi32>
    %bitcast_convert_type3A_85 = tpu.bitcast %or3A_84 : vector<1024x128xi32> -> vector<1024x128xf32>
    %slice3A_86 = vector.extract_strided_slice %reshape3A {offsets = [0, 512], sizes = [1, 128], strides = [1, 1]} : vector<1x2048xf32> to vector<1x128xf32>
    %add3A_87 = vector.broadcast %add3A_15 : vector<1024x1xf32> to vector<1024x128xf32>
    %add3A_88 = vector.broadcast %slice3A_86 : vector<1x128xf32> to vector<1024x128xf32>
    %add3A_89 = arith.addf %add3A_87, %add3A_88 : vector<1024x128xf32>
    %slice3A_90 = vector.extract_strided_slice %dot_general3A_13 {offsets = [0, 512], sizes = [1024, 128], strides = [1, 1]} : vector<1024x2048xf32> to vector<1024x128xf32>
    %add3A_91 = arith.addf %add3A_89, %slice3A_90 : vector<1024x128xf32>
    %max3A_92 = arith.constant 1.000000e+00 : f32
    %max3A_93 = vector.broadcast %max3A_92 : f32 to vector<1024x128xf32>
    %max3A_94 = arith.maximumf %add3A_91, %max3A_93 : vector<1024x128xf32>
    %bitcast_convert_type3A_95 = tpu.bitcast %max3A_94 : vector<1024x128xf32> -> vector<1024x128xi32>
    %not3A_96 = arith.constant 15 : i32
    %not3A_97 = arith.constant -1 : i32
    %not3A_98 = arith.xori %not3A_96, %not3A_97 : i32
    %and3A_99 = vector.broadcast %not3A_98 : i32 to vector<1024x128xi32>
    %and3A_100 = arith.andi %bitcast_convert_type3A_95, %and3A_99 : vector<1024x128xi32>
    %or3A_101 = arith.constant 4 : i32
    %or3A_102 = vector.broadcast %or3A_101 : i32 to vector<1024x128xi32>
    %or3A_103 = arith.ori %and3A_100, %or3A_102 : vector<1024x128xi32>
    %bitcast_convert_type3A_104 = tpu.bitcast %or3A_103 : vector<1024x128xi32> -> vector<1024x128xf32>
    %slice3A_105 = vector.extract_strided_slice %reshape3A {offsets = [0, 640], sizes = [1, 128], strides = [1, 1]} : vector<1x2048xf32> to vector<1x128xf32>
    %add3A_106 = vector.broadcast %add3A_15 : vector<1024x1xf32> to vector<1024x128xf32>
    %add3A_107 = vector.broadcast %slice3A_105 : vector<1x128xf32> to vector<1024x128xf32>
    %add3A_108 = arith.addf %add3A_106, %add3A_107 : vector<1024x128xf32>
    %slice3A_109 = vector.extract_strided_slice %dot_general3A_13 {offsets = [0, 640], sizes = [1024, 128], strides = [1, 1]} : vector<1024x2048xf32> to vector<1024x128xf32>
    %add3A_110 = arith.addf %add3A_108, %slice3A_109 : vector<1024x128xf32>
    %max3A_111 = arith.constant 1.000000e+00 : f32
    %max3A_112 = vector.broadcast %max3A_111 : f32 to vector<1024x128xf32>
    %max3A_113 = arith.maximumf %add3A_110, %max3A_112 : vector<1024x128xf32>
    %bitcast_convert_type3A_114 = tpu.bitcast %max3A_113 : vector<1024x128xf32> -> vector<1024x128xi32>
    %not3A_115 = arith.constant 15 : i32
    %not3A_116 = arith.constant -1 : i32
    %not3A_117 = arith.xori %not3A_115, %not3A_116 : i32
    %and3A_118 = vector.broadcast %not3A_117 : i32 to vector<1024x128xi32>
    %and3A_119 = arith.andi %bitcast_convert_type3A_114, %and3A_118 : vector<1024x128xi32>
    %or3A_120 = arith.constant 5 : i32
    %or3A_121 = vector.broadcast %or3A_120 : i32 to vector<1024x128xi32>
    %or3A_122 = arith.ori %and3A_119, %or3A_121 : vector<1024x128xi32>
    %bitcast_convert_type3A_123 = tpu.bitcast %or3A_122 : vector<1024x128xi32> -> vector<1024x128xf32>
    %slice3A_124 = vector.extract_strided_slice %reshape3A {offsets = [0, 768], sizes = [1, 128], strides = [1, 1]} : vector<1x2048xf32> to vector<1x128xf32>
    %add3A_125 = vector.broadcast %add3A_15 : vector<1024x1xf32> to vector<1024x128xf32>
    %add3A_126 = vector.broadcast %slice3A_124 : vector<1x128xf32> to vector<1024x128xf32>
    %add3A_127 = arith.addf %add3A_125, %add3A_126 : vector<1024x128xf32>
    %slice3A_128 = vector.extract_strided_slice %dot_general3A_13 {offsets = [0, 768], sizes = [1024, 128], strides = [1, 1]} : vector<1024x2048xf32> to vector<1024x128xf32>
    %add3A_129 = arith.addf %add3A_127, %slice3A_128 : vector<1024x128xf32>
    %max3A_130 = arith.constant 1.000000e+00 : f32
    %max3A_131 = vector.broadcast %max3A_130 : f32 to vector<1024x128xf32>
    %max3A_132 = arith.maximumf %add3A_129, %max3A_131 : vector<1024x128xf32>
    %bitcast_convert_type3A_133 = tpu.bitcast %max3A_132 : vector<1024x128xf32> -> vector<1024x128xi32>
    %not3A_134 = arith.constant 15 : i32
    %not3A_135 = arith.constant -1 : i32
    %not3A_136 = arith.xori %not3A_134, %not3A_135 : i32
    %and3A_137 = vector.broadcast %not3A_136 : i32 to vector<1024x128xi32>
    %and3A_138 = arith.andi %bitcast_convert_type3A_133, %and3A_137 : vector<1024x128xi32>
    %or3A_139 = arith.constant 6 : i32
    %or3A_140 = vector.broadcast %or3A_139 : i32 to vector<1024x128xi32>
    %or3A_141 = arith.ori %and3A_138, %or3A_140 : vector<1024x128xi32>
    %bitcast_convert_type3A_142 = tpu.bitcast %or3A_141 : vector<1024x128xi32> -> vector<1024x128xf32>
    %slice3A_143 = vector.extract_strided_slice %reshape3A {offsets = [0, 896], sizes = [1, 128], strides = [1, 1]} : vector<1x2048xf32> to vector<1x128xf32>
    %add3A_144 = vector.broadcast %add3A_15 : vector<1024x1xf32> to vector<1024x128xf32>
    %add3A_145 = vector.broadcast %slice3A_143 : vector<1x128xf32> to vector<1024x128xf32>
    %add3A_146 = arith.addf %add3A_144, %add3A_145 : vector<1024x128xf32>
    %slice3A_147 = vector.extract_strided_slice %dot_general3A_13 {offsets = [0, 896], sizes = [1024, 128], strides = [1, 1]} : vector<1024x2048xf32> to vector<1024x128xf32>
    %add3A_148 = arith.addf %add3A_146, %slice3A_147 : vector<1024x128xf32>
    %max3A_149 = arith.constant 1.000000e+00 : f32
    %max3A_150 = vector.broadcast %max3A_149 : f32 to vector<1024x128xf32>
    %max3A_151 = arith.maximumf %add3A_148, %max3A_150 : vector<1024x128xf32>
    %bitcast_convert_type3A_152 = tpu.bitcast %max3A_151 : vector<1024x128xf32> -> vector<1024x128xi32>
    %not3A_153 = arith.constant 15 : i32
    %not3A_154 = arith.constant -1 : i32
    %not3A_155 = arith.xori %not3A_153, %not3A_154 : i32
    %and3A_156 = vector.broadcast %not3A_155 : i32 to vector<1024x128xi32>
    %and3A_157 = arith.andi %bitcast_convert_type3A_152, %and3A_156 : vector<1024x128xi32>
    %or3A_158 = arith.constant 7 : i32
    %or3A_159 = vector.broadcast %or3A_158 : i32 to vector<1024x128xi32>
    %or3A_160 = arith.ori %and3A_157, %or3A_159 : vector<1024x128xi32>
    %bitcast_convert_type3A_161 = tpu.bitcast %or3A_160 : vector<1024x128xi32> -> vector<1024x128xf32>
    %slice3A_162 = vector.extract_strided_slice %reshape3A {offsets = [0, 1024], sizes = [1, 128], strides = [1, 1]} : vector<1x2048xf32> to vector<1x128xf32>
    %add3A_163 = vector.broadcast %add3A_15 : vector<1024x1xf32> to vector<1024x128xf32>
    %add3A_164 = vector.broadcast %slice3A_162 : vector<1x128xf32> to vector<1024x128xf32>
    %add3A_165 = arith.addf %add3A_163, %add3A_164 : vector<1024x128xf32>
    %slice3A_166 = vector.extract_strided_slice %dot_general3A_13 {offsets = [0, 1024], sizes = [1024, 128], strides = [1, 1]} : vector<1024x2048xf32> to vector<1024x128xf32>
    %add3A_167 = arith.addf %add3A_165, %slice3A_166 : vector<1024x128xf32>
    %max3A_168 = arith.constant 1.000000e+00 : f32
    %max3A_169 = vector.broadcast %max3A_168 : f32 to vector<1024x128xf32>
    %max3A_170 = arith.maximumf %add3A_167, %max3A_169 : vector<1024x128xf32>
    %bitcast_convert_type3A_171 = tpu.bitcast %max3A_170 : vector<1024x128xf32> -> vector<1024x128xi32>
    %not3A_172 = arith.constant 15 : i32
    %not3A_173 = arith.constant -1 : i32
    %not3A_174 = arith.xori %not3A_172, %not3A_173 : i32
    %and3A_175 = vector.broadcast %not3A_174 : i32 to vector<1024x128xi32>
    %and3A_176 = arith.andi %bitcast_convert_type3A_171, %and3A_175 : vector<1024x128xi32>
    %or3A_177 = arith.constant 8 : i32
    %or3A_178 = vector.broadcast %or3A_177 : i32 to vector<1024x128xi32>
    %or3A_179 = arith.ori %and3A_176, %or3A_178 : vector<1024x128xi32>
    %bitcast_convert_type3A_180 = tpu.bitcast %or3A_179 : vector<1024x128xi32> -> vector<1024x128xf32>
    %slice3A_181 = vector.extract_strided_slice %reshape3A {offsets = [0, 1152], sizes = [1, 128], strides = [1, 1]} : vector<1x2048xf32> to vector<1x128xf32>
    %add3A_182 = vector.broadcast %add3A_15 : vector<1024x1xf32> to vector<1024x128xf32>
    %add3A_183 = vector.broadcast %slice3A_181 : vector<1x128xf32> to vector<1024x128xf32>
    %add3A_184 = arith.addf %add3A_182, %add3A_183 : vector<1024x128xf32>
    %slice3A_185 = vector.extract_strided_slice %dot_general3A_13 {offsets = [0, 1152], sizes = [1024, 128], strides = [1, 1]} : vector<1024x2048xf32> to vector<1024x128xf32>
    %add3A_186 = arith.addf %add3A_184, %slice3A_185 : vector<1024x128xf32>
    %max3A_187 = arith.constant 1.000000e+00 : f32
    %max3A_188 = vector.broadcast %max3A_187 : f32 to vector<1024x128xf32>
    %max3A_189 = arith.maximumf %add3A_186, %max3A_188 : vector<1024x128xf32>
    %bitcast_convert_type3A_190 = tpu.bitcast %max3A_189 : vector<1024x128xf32> -> vector<1024x128xi32>
    %not3A_191 = arith.constant 15 : i32
    %not3A_192 = arith.constant -1 : i32
    %not3A_193 = arith.xori %not3A_191, %not3A_192 : i32
    %and3A_194 = vector.broadcast %not3A_193 : i32 to vector<1024x128xi32>
    %and3A_195 = arith.andi %bitcast_convert_type3A_190, %and3A_194 : vector<1024x128xi32>
    %or3A_196 = arith.constant 9 : i32
    %or3A_197 = vector.broadcast %or3A_196 : i32 to vector<1024x128xi32>
    %or3A_198 = arith.ori %and3A_195, %or3A_197 : vector<1024x128xi32>
    %bitcast_convert_type3A_199 = tpu.bitcast %or3A_198 : vector<1024x128xi32> -> vector<1024x128xf32>
    %slice3A_200 = vector.extract_strided_slice %reshape3A {offsets = [0, 1280], sizes = [1, 128], strides = [1, 1]} : vector<1x2048xf32> to vector<1x128xf32>
    %add3A_201 = vector.broadcast %add3A_15 : vector<1024x1xf32> to vector<1024x128xf32>
    %add3A_202 = vector.broadcast %slice3A_200 : vector<1x128xf32> to vector<1024x128xf32>
    %add3A_203 = arith.addf %add3A_201, %add3A_202 : vector<1024x128xf32>
    %slice3A_204 = vector.extract_strided_slice %dot_general3A_13 {offsets = [0, 1280], sizes = [1024, 128], strides = [1, 1]} : vector<1024x2048xf32> to vector<1024x128xf32>
    %add3A_205 = arith.addf %add3A_203, %slice3A_204 : vector<1024x128xf32>
    %max3A_206 = arith.constant 1.000000e+00 : f32
    %max3A_207 = vector.broadcast %max3A_206 : f32 to vector<1024x128xf32>
    %max3A_208 = arith.maximumf %add3A_205, %max3A_207 : vector<1024x128xf32>
    %bitcast_convert_type3A_209 = tpu.bitcast %max3A_208 : vector<1024x128xf32> -> vector<1024x128xi32>
    %not3A_210 = arith.constant 15 : i32
    %not3A_211 = arith.constant -1 : i32
    %not3A_212 = arith.xori %not3A_210, %not3A_211 : i32
    %and3A_213 = vector.broadcast %not3A_212 : i32 to vector<1024x128xi32>
    %and3A_214 = arith.andi %bitcast_convert_type3A_209, %and3A_213 : vector<1024x128xi32>
    %or3A_215 = arith.constant 10 : i32
    %or3A_216 = vector.broadcast %or3A_215 : i32 to vector<1024x128xi32>
    %or3A_217 = arith.ori %and3A_214, %or3A_216 : vector<1024x128xi32>
    %bitcast_convert_type3A_218 = tpu.bitcast %or3A_217 : vector<1024x128xi32> -> vector<1024x128xf32>
    %slice3A_219 = vector.extract_strided_slice %reshape3A {offsets = [0, 1408], sizes = [1, 128], strides = [1, 1]} : vector<1x2048xf32> to vector<1x128xf32>
    %add3A_220 = vector.broadcast %add3A_15 : vector<1024x1xf32> to vector<1024x128xf32>
    %add3A_221 = vector.broadcast %slice3A_219 : vector<1x128xf32> to vector<1024x128xf32>
    %add3A_222 = arith.addf %add3A_220, %add3A_221 : vector<1024x128xf32>
    %slice3A_223 = vector.extract_strided_slice %dot_general3A_13 {offsets = [0, 1408], sizes = [1024, 128], strides = [1, 1]} : vector<1024x2048xf32> to vector<1024x128xf32>
    %add3A_224 = arith.addf %add3A_222, %slice3A_223 : vector<1024x128xf32>
    %max3A_225 = arith.constant 1.000000e+00 : f32
    %max3A_226 = vector.broadcast %max3A_225 : f32 to vector<1024x128xf32>
    %max3A_227 = arith.maximumf %add3A_224, %max3A_226 : vector<1024x128xf32>
    %bitcast_convert_type3A_228 = tpu.bitcast %max3A_227 : vector<1024x128xf32> -> vector<1024x128xi32>
    %not3A_229 = arith.constant 15 : i32
    %not3A_230 = arith.constant -1 : i32
    %not3A_231 = arith.xori %not3A_229, %not3A_230 : i32
    %and3A_232 = vector.broadcast %not3A_231 : i32 to vector<1024x128xi32>
    %and3A_233 = arith.andi %bitcast_convert_type3A_228, %and3A_232 : vector<1024x128xi32>
    %or3A_234 = arith.constant 11 : i32
    %or3A_235 = vector.broadcast %or3A_234 : i32 to vector<1024x128xi32>
    %or3A_236 = arith.ori %and3A_233, %or3A_235 : vector<1024x128xi32>
    %bitcast_convert_type3A_237 = tpu.bitcast %or3A_236 : vector<1024x128xi32> -> vector<1024x128xf32>
    %slice3A_238 = vector.extract_strided_slice %reshape3A {offsets = [0, 1536], sizes = [1, 128], strides = [1, 1]} : vector<1x2048xf32> to vector<1x128xf32>
    %add3A_239 = vector.broadcast %add3A_15 : vector<1024x1xf32> to vector<1024x128xf32>
    %add3A_240 = vector.broadcast %slice3A_238 : vector<1x128xf32> to vector<1024x128xf32>
    %add3A_241 = arith.addf %add3A_239, %add3A_240 : vector<1024x128xf32>
    %slice3A_242 = vector.extract_strided_slice %dot_general3A_13 {offsets = [0, 1536], sizes = [1024, 128], strides = [1, 1]} : vector<1024x2048xf32> to vector<1024x128xf32>
    %add3A_243 = arith.addf %add3A_241, %slice3A_242 : vector<1024x128xf32>
    %max3A_244 = arith.constant 1.000000e+00 : f32
    %max3A_245 = vector.broadcast %max3A_244 : f32 to vector<1024x128xf32>
    %max3A_246 = arith.maximumf %add3A_243, %max3A_245 : vector<1024x128xf32>
    %bitcast_convert_type3A_247 = tpu.bitcast %max3A_246 : vector<1024x128xf32> -> vector<1024x128xi32>
    %not3A_248 = arith.constant 15 : i32
    %not3A_249 = arith.constant -1 : i32
    %not3A_250 = arith.xori %not3A_248, %not3A_249 : i32
    %and3A_251 = vector.broadcast %not3A_250 : i32 to vector<1024x128xi32>
    %and3A_252 = arith.andi %bitcast_convert_type3A_247, %and3A_251 : vector<1024x128xi32>
    %or3A_253 = arith.constant 12 : i32
    %or3A_254 = vector.broadcast %or3A_253 : i32 to vector<1024x128xi32>
    %or3A_255 = arith.ori %and3A_252, %or3A_254 : vector<1024x128xi32>
    %bitcast_convert_type3A_256 = tpu.bitcast %or3A_255 : vector<1024x128xi32> -> vector<1024x128xf32>
    %slice3A_257 = vector.extract_strided_slice %reshape3A {offsets = [0, 1664], sizes = [1, 128], strides = [1, 1]} : vector<1x2048xf32> to vector<1x128xf32>
    %add3A_258 = vector.broadcast %add3A_15 : vector<1024x1xf32> to vector<1024x128xf32>
    %add3A_259 = vector.broadcast %slice3A_257 : vector<1x128xf32> to vector<1024x128xf32>
    %add3A_260 = arith.addf %add3A_258, %add3A_259 : vector<1024x128xf32>
    %slice3A_261 = vector.extract_strided_slice %dot_general3A_13 {offsets = [0, 1664], sizes = [1024, 128], strides = [1, 1]} : vector<1024x2048xf32> to vector<1024x128xf32>
    %add3A_262 = arith.addf %add3A_260, %slice3A_261 : vector<1024x128xf32>
    %max3A_263 = arith.constant 1.000000e+00 : f32
    %max3A_264 = vector.broadcast %max3A_263 : f32 to vector<1024x128xf32>
    %max3A_265 = arith.maximumf %add3A_262, %max3A_264 : vector<1024x128xf32>
    %bitcast_convert_type3A_266 = tpu.bitcast %max3A_265 : vector<1024x128xf32> -> vector<1024x128xi32>
    %not3A_267 = arith.constant 15 : i32
    %not3A_268 = arith.constant -1 : i32
    %not3A_269 = arith.xori %not3A_267, %not3A_268 : i32
    %and3A_270 = vector.broadcast %not3A_269 : i32 to vector<1024x128xi32>
    %and3A_271 = arith.andi %bitcast_convert_type3A_266, %and3A_270 : vector<1024x128xi32>
    %or3A_272 = arith.constant 13 : i32
    %or3A_273 = vector.broadcast %or3A_272 : i32 to vector<1024x128xi32>
    %or3A_274 = arith.ori %and3A_271, %or3A_273 : vector<1024x128xi32>
    %bitcast_convert_type3A_275 = tpu.bitcast %or3A_274 : vector<1024x128xi32> -> vector<1024x128xf32>
    %slice3A_276 = vector.extract_strided_slice %reshape3A {offsets = [0, 1792], sizes = [1, 128], strides = [1, 1]} : vector<1x2048xf32> to vector<1x128xf32>
    %add3A_277 = vector.broadcast %add3A_15 : vector<1024x1xf32> to vector<1024x128xf32>
    %add3A_278 = vector.broadcast %slice3A_276 : vector<1x128xf32> to vector<1024x128xf32>
    %add3A_279 = arith.addf %add3A_277, %add3A_278 : vector<1024x128xf32>
    %slice3A_280 = vector.extract_strided_slice %dot_general3A_13 {offsets = [0, 1792], sizes = [1024, 128], strides = [1, 1]} : vector<1024x2048xf32> to vector<1024x128xf32>
    %add3A_281 = arith.addf %add3A_279, %slice3A_280 : vector<1024x128xf32>
    %max3A_282 = arith.constant 1.000000e+00 : f32
    %max3A_283 = vector.broadcast %max3A_282 : f32 to vector<1024x128xf32>
    %max3A_284 = arith.maximumf %add3A_281, %max3A_283 : vector<1024x128xf32>
    %bitcast_convert_type3A_285 = tpu.bitcast %max3A_284 : vector<1024x128xf32> -> vector<1024x128xi32>
    %not3A_286 = arith.constant 15 : i32
    %not3A_287 = arith.constant -1 : i32
    %not3A_288 = arith.xori %not3A_286, %not3A_287 : i32
    %and3A_289 = vector.broadcast %not3A_288 : i32 to vector<1024x128xi32>
    %and3A_290 = arith.andi %bitcast_convert_type3A_285, %and3A_289 : vector<1024x128xi32>
    %or3A_291 = arith.constant 14 : i32
    %or3A_292 = vector.broadcast %or3A_291 : i32 to vector<1024x128xi32>
    %or3A_293 = arith.ori %and3A_290, %or3A_292 : vector<1024x128xi32>
    %bitcast_convert_type3A_294 = tpu.bitcast %or3A_293 : vector<1024x128xi32> -> vector<1024x128xf32>
    %slice3A_295 = vector.extract_strided_slice %reshape3A {offsets = [0, 1920], sizes = [1, 128], strides = [1, 1]} : vector<1x2048xf32> to vector<1x128xf32>
    %add3A_296 = vector.broadcast %add3A_15 : vector<1024x1xf32> to vector<1024x128xf32>
    %add3A_297 = vector.broadcast %slice3A_295 : vector<1x128xf32> to vector<1024x128xf32>
    %add3A_298 = arith.addf %add3A_296, %add3A_297 : vector<1024x128xf32>
    %slice3A_299 = vector.extract_strided_slice %dot_general3A_13 {offsets = [0, 1920], sizes = [1024, 128], strides = [1, 1]} : vector<1024x2048xf32> to vector<1024x128xf32>
    %add3A_300 = arith.addf %add3A_298, %slice3A_299 : vector<1024x128xf32>
    %max3A_301 = arith.constant 1.000000e+00 : f32
    %max3A_302 = vector.broadcast %max3A_301 : f32 to vector<1024x128xf32>
    %max3A_303 = arith.maximumf %add3A_300, %max3A_302 : vector<1024x128xf32>
    %bitcast_convert_type3A_304 = tpu.bitcast %max3A_303 : vector<1024x128xf32> -> vector<1024x128xi32>
    %not3A_305 = arith.constant 15 : i32
    %not3A_306 = arith.constant -1 : i32
    %not3A_307 = arith.xori %not3A_305, %not3A_306 : i32
    %and3A_308 = vector.broadcast %not3A_307 : i32 to vector<1024x128xi32>
    %and3A_309 = arith.andi %bitcast_convert_type3A_304, %and3A_308 : vector<1024x128xi32>
    %or3A_310 = arith.constant 15 : i32
    %or3A_311 = vector.broadcast %or3A_310 : i32 to vector<1024x128xi32>
    %or3A_312 = arith.ori %and3A_309, %or3A_311 : vector<1024x128xi32>
    %bitcast_convert_type3A_313 = tpu.bitcast %or3A_312 : vector<1024x128xi32> -> vector<1024x128xf32>
    %min3A = arith.minimumf %bitcast_convert_type3A_28, %bitcast_convert_type3A_47 : vector<1024x128xf32>
    %max3A_314 = arith.maximumf %bitcast_convert_type3A_28, %bitcast_convert_type3A_47 : vector<1024x128xf32>
    %min3A_315 = arith.minimumf %bitcast_convert_type3A_66, %bitcast_convert_type3A_85 : vector<1024x128xf32>
    %max3A_316 = arith.maximumf %bitcast_convert_type3A_66, %bitcast_convert_type3A_85 : vector<1024x128xf32>
    %min3A_317 = arith.minimumf %bitcast_convert_type3A_104, %bitcast_convert_type3A_123 : vector<1024x128xf32>
    %max3A_318 = arith.maximumf %bitcast_convert_type3A_104, %bitcast_convert_type3A_123 : vector<1024x128xf32>
    %min3A_319 = arith.minimumf %bitcast_convert_type3A_142, %bitcast_convert_type3A_161 : vector<1024x128xf32>
    %max3A_320 = arith.maximumf %bitcast_convert_type3A_142, %bitcast_convert_type3A_161 : vector<1024x128xf32>
    %min3A_321 = arith.minimumf %bitcast_convert_type3A_180, %bitcast_convert_type3A_199 : vector<1024x128xf32>
    %max3A_322 = arith.maximumf %bitcast_convert_type3A_180, %bitcast_convert_type3A_199 : vector<1024x128xf32>
    %min3A_323 = arith.minimumf %bitcast_convert_type3A_218, %bitcast_convert_type3A_237 : vector<1024x128xf32>
    %max3A_324 = arith.maximumf %bitcast_convert_type3A_218, %bitcast_convert_type3A_237 : vector<1024x128xf32>
    %min3A_325 = arith.minimumf %bitcast_convert_type3A_256, %bitcast_convert_type3A_275 : vector<1024x128xf32>
    %max3A_326 = arith.maximumf %bitcast_convert_type3A_256, %bitcast_convert_type3A_275 : vector<1024x128xf32>
    %min3A_327 = arith.minimumf %bitcast_convert_type3A_294, %bitcast_convert_type3A_313 : vector<1024x128xf32>
    %max3A_328 = arith.maximumf %bitcast_convert_type3A_294, %bitcast_convert_type3A_313 : vector<1024x128xf32>
    %min3A_329 = arith.minimumf %min3A, %min3A_315 : vector<1024x128xf32>
    %max3A_330 = arith.maximumf %min3A, %min3A_315 : vector<1024x128xf32>
    %min3A_331 = arith.minimumf %max3A_314, %max3A_316 : vector<1024x128xf32>
    %max3A_332 = arith.maximumf %max3A_314, %max3A_316 : vector<1024x128xf32>
    %min3A_333 = arith.minimumf %max3A_330, %min3A_331 : vector<1024x128xf32>
    %max3A_334 = arith.maximumf %max3A_330, %min3A_331 : vector<1024x128xf32>
    %min3A_335 = arith.minimumf %min3A_317, %min3A_319 : vector<1024x128xf32>
    %max3A_336 = arith.maximumf %min3A_317, %min3A_319 : vector<1024x128xf32>
    %min3A_337 = arith.minimumf %max3A_318, %max3A_320 : vector<1024x128xf32>
    %max3A_338 = arith.maximumf %max3A_318, %max3A_320 : vector<1024x128xf32>
    %min3A_339 = arith.minimumf %max3A_336, %min3A_337 : vector<1024x128xf32>
    %max3A_340 = arith.maximumf %max3A_336, %min3A_337 : vector<1024x128xf32>
    %min3A_341 = arith.minimumf %min3A_321, %min3A_323 : vector<1024x128xf32>
    %max3A_342 = arith.maximumf %min3A_321, %min3A_323 : vector<1024x128xf32>
    %min3A_343 = arith.minimumf %max3A_322, %max3A_324 : vector<1024x128xf32>
    %max3A_344 = arith.maximumf %max3A_322, %max3A_324 : vector<1024x128xf32>
    %min3A_345 = arith.minimumf %max3A_342, %min3A_343 : vector<1024x128xf32>
    %max3A_346 = arith.maximumf %max3A_342, %min3A_343 : vector<1024x128xf32>
    %min3A_347 = arith.minimumf %min3A_325, %min3A_327 : vector<1024x128xf32>
    %max3A_348 = arith.maximumf %min3A_325, %min3A_327 : vector<1024x128xf32>
    %min3A_349 = arith.minimumf %max3A_326, %max3A_328 : vector<1024x128xf32>
    %max3A_350 = arith.maximumf %max3A_326, %max3A_328 : vector<1024x128xf32>
    %min3A_351 = arith.minimumf %max3A_348, %min3A_349 : vector<1024x128xf32>
    %max3A_352 = arith.maximumf %max3A_348, %min3A_349 : vector<1024x128xf32>
    %min3A_353 = arith.minimumf %min3A_329, %max3A_338 : vector<1024x128xf32>
    %min3A_354 = arith.minimumf %min3A_333, %max3A_340 : vector<1024x128xf32>
    %min3A_355 = arith.minimumf %max3A_334, %min3A_339 : vector<1024x128xf32>
    %min3A_356 = arith.minimumf %max3A_332, %min3A_335 : vector<1024x128xf32>
    %min3A_357 = arith.minimumf %min3A_353, %min3A_355 : vector<1024x128xf32>
    %max3A_358 = arith.maximumf %min3A_353, %min3A_355 : vector<1024x128xf32>
    %min3A_359 = arith.minimumf %min3A_354, %min3A_356 : vector<1024x128xf32>
    %max3A_360 = arith.maximumf %min3A_354, %min3A_356 : vector<1024x128xf32>
    %min3A_361 = arith.minimumf %min3A_357, %min3A_359 : vector<1024x128xf32>
    %max3A_362 = arith.maximumf %min3A_357, %min3A_359 : vector<1024x128xf32>
    %min3A_363 = arith.minimumf %max3A_358, %max3A_360 : vector<1024x128xf32>
    %max3A_364 = arith.maximumf %max3A_358, %max3A_360 : vector<1024x128xf32>
    %min3A_365 = arith.minimumf %min3A_341, %max3A_350 : vector<1024x128xf32>
    %min3A_366 = arith.minimumf %min3A_345, %max3A_352 : vector<1024x128xf32>
    %min3A_367 = arith.minimumf %max3A_346, %min3A_351 : vector<1024x128xf32>
    %min3A_368 = arith.minimumf %max3A_344, %min3A_347 : vector<1024x128xf32>
    %min3A_369 = arith.minimumf %min3A_365, %min3A_367 : vector<1024x128xf32>
    %max3A_370 = arith.maximumf %min3A_365, %min3A_367 : vector<1024x128xf32>
    %min3A_371 = arith.minimumf %min3A_366, %min3A_368 : vector<1024x128xf32>
    %max3A_372 = arith.maximumf %min3A_366, %min3A_368 : vector<1024x128xf32>
    %min3A_373 = arith.minimumf %min3A_369, %min3A_371 : vector<1024x128xf32>
    %max3A_374 = arith.maximumf %min3A_369, %min3A_371 : vector<1024x128xf32>
    %min3A_375 = arith.minimumf %max3A_370, %max3A_372 : vector<1024x128xf32>
    %max3A_376 = arith.maximumf %max3A_370, %max3A_372 : vector<1024x128xf32>
    %min3A_377 = arith.minimumf %min3A_361, %max3A_376 : vector<1024x128xf32>
    %min3A_378 = arith.minimumf %max3A_362, %min3A_375 : vector<1024x128xf32>
    %min3A_379 = arith.minimumf %min3A_363, %max3A_374 : vector<1024x128xf32>
    %min3A_380 = arith.minimumf %max3A_364, %min3A_373 : vector<1024x128xf32>
    %min3A_381 = arith.minimumf %min3A_377, %min3A_379 : vector<1024x128xf32>
    %max3A_382 = arith.maximumf %min3A_377, %min3A_379 : vector<1024x128xf32>
    %min3A_383 = arith.minimumf %min3A_378, %min3A_380 : vector<1024x128xf32>
    %max3A_384 = arith.maximumf %min3A_378, %min3A_380 : vector<1024x128xf32>
    %min3A_385 = arith.minimumf %min3A_381, %min3A_383 : vector<1024x128xf32>
    %max3A_386 = arith.maximumf %min3A_381, %min3A_383 : vector<1024x128xf32>
    %min3A_387 = arith.minimumf %max3A_382, %max3A_384 : vector<1024x128xf32>
    %max3A_388 = arith.maximumf %max3A_382, %max3A_384 : vector<1024x128xf32>
    %reduce_min3A = arith.constant dense<0x7F800000> : vector<1024xf32>
    %reduce_min3A_389 = vector.multi_reduction <minimumf>, %min3A_385, %reduce_min3A [1] : vector<1024x128xf32> to vector<1024xf32>
    %broadcast_in_dim3A_390 = vector.shape_cast %reduce_min3A_389 : vector<1024xf32> to vector<1024x1xf32>
    %eq3A = vector.broadcast %broadcast_in_dim3A_390 : vector<1024x1xf32> to vector<1024x128xf32>
    %eq3A_391 = arith.cmpf oeq, %min3A_385, %eq3A : vector<1024x128xf32>
    %jit3A = arith.constant 0x7F800000 : f32
    %broadcast_in_dim3A_392 = vector.broadcast %jit3A : f32 to vector<1024x128xf32>
    %select_n3A = arith.select %eq3A_391, %convert_element_type3A, %broadcast_in_dim3A_392 : vector<1024x128xi1>, vector<1024x128xf32>
    %reduce_min3A_393 = arith.constant dense<0x7F800000> : vector<1024xf32>
    %reduce_min3A_394 = vector.multi_reduction <minimumf>, %select_n3A, %reduce_min3A_393 [1] : vector<1024x128xf32> to vector<1024xf32>
    %broadcast_in_dim3A_395 = vector.shape_cast %reduce_min3A_394 : vector<1024xf32> to vector<1024x1xf32>
    %eq3A_396 = vector.broadcast %broadcast_in_dim3A_395 : vector<1024x1xf32> to vector<1024x128xf32>
    %eq3A_397 = arith.cmpf oeq, %convert_element_type3A, %eq3A_396 : vector<1024x128xf32>
    %select_n3A_398 = arith.select %eq3A_397, %max3A_386, %min3A_385 : vector<1024x128xi1>, vector<1024x128xf32>
    %select_n3A_399 = arith.select %eq3A_397, %min3A_387, %max3A_386 : vector<1024x128xi1>, vector<1024x128xf32>
    %select_n3A_400 = arith.select %eq3A_397, %max3A_388, %min3A_387 : vector<1024x128xi1>, vector<1024x128xf32>
    %jit3A_401 = arith.constant 0x7F800000 : f32
    %broadcast_in_dim3A_402 = vector.broadcast %jit3A_401 : f32 to vector<1024x128xf32>
    %select_n3A_403 = arith.select %eq3A_397, %broadcast_in_dim3A_402, %max3A_388 : vector<1024x128xi1>, vector<1024x128xf32>
    %reduce_min3A_404 = arith.constant dense<0x7F800000> : vector<1024xf32>
    %reduce_min3A_405 = vector.multi_reduction <minimumf>, %select_n3A_398, %reduce_min3A_404 [1] : vector<1024x128xf32> to vector<1024xf32>
    %broadcast_in_dim3A_406 = vector.shape_cast %reduce_min3A_405 : vector<1024xf32> to vector<1024x1xf32>
    %eq3A_407 = vector.broadcast %broadcast_in_dim3A_406 : vector<1024x1xf32> to vector<1024x128xf32>
    %eq3A_408 = arith.cmpf oeq, %select_n3A_398, %eq3A_407 : vector<1024x128xf32>
    %jit3A_409 = arith.constant 0x7F800000 : f32
    %broadcast_in_dim3A_410 = vector.broadcast %jit3A_409 : f32 to vector<1024x128xf32>
    %select_n3A_411 = arith.select %eq3A_408, %convert_element_type3A, %broadcast_in_dim3A_410 : vector<1024x128xi1>, vector<1024x128xf32>
    %reduce_min3A_412 = arith.constant dense<0x7F800000> : vector<1024xf32>
    %reduce_min3A_413 = vector.multi_reduction <minimumf>, %select_n3A_411, %reduce_min3A_412 [1] : vector<1024x128xf32> to vector<1024xf32>
    %broadcast_in_dim3A_414 = vector.shape_cast %reduce_min3A_413 : vector<1024xf32> to vector<1024x1xf32>
    %eq3A_415 = vector.broadcast %broadcast_in_dim3A_414 : vector<1024x1xf32> to vector<1024x128xf32>
    %eq3A_416 = arith.cmpf oeq, %convert_element_type3A, %eq3A_415 : vector<1024x128xf32>
    %select_n3A_417 = arith.select %eq3A_416, %select_n3A_399, %select_n3A_398 : vector<1024x128xi1>, vector<1024x128xf32>
    %select_n3A_418 = arith.select %eq3A_416, %select_n3A_400, %select_n3A_399 : vector<1024x128xi1>, vector<1024x128xf32>
    %select_n3A_419 = arith.select %eq3A_416, %select_n3A_403, %select_n3A_400 : vector<1024x128xi1>, vector<1024x128xf32>
    %jit3A_420 = arith.constant 0x7F800000 : f32
    %broadcast_in_dim3A_421 = vector.broadcast %jit3A_420 : f32 to vector<1024x128xf32>
    %select_n3A_422 = arith.select %eq3A_416, %broadcast_in_dim3A_421, %select_n3A_403 : vector<1024x128xi1>, vector<1024x128xf32>
    %reduce_min3A_423 = arith.constant dense<0x7F800000> : vector<1024xf32>
    %reduce_min3A_424 = vector.multi_reduction <minimumf>, %select_n3A_417, %reduce_min3A_423 [1] : vector<1024x128xf32> to vector<1024xf32>
    %broadcast_in_dim3A_425 = vector.shape_cast %reduce_min3A_424 : vector<1024xf32> to vector<1024x1xf32>
    %eq3A_426 = vector.broadcast %broadcast_in_dim3A_425 : vector<1024x1xf32> to vector<1024x128xf32>
    %eq3A_427 = arith.cmpf oeq, %select_n3A_417, %eq3A_426 : vector<1024x128xf32>
    %jit3A_428 = arith.constant 0x7F800000 : f32
    %broadcast_in_dim3A_429 = vector.broadcast %jit3A_428 : f32 to vector<1024x128xf32>
    %select_n3A_430 = arith.select %eq3A_427, %convert_element_type3A, %broadcast_in_dim3A_429 : vector<1024x128xi1>, vector<1024x128xf32>
    %reduce_min3A_431 = arith.constant dense<0x7F800000> : vector<1024xf32>
    %reduce_min3A_432 = vector.multi_reduction <minimumf>, %select_n3A_430, %reduce_min3A_431 [1] : vector<1024x128xf32> to vector<1024xf32>
    %broadcast_in_dim3A_433 = vector.shape_cast %reduce_min3A_432 : vector<1024xf32> to vector<1024x1xf32>
    %eq3A_434 = vector.broadcast %broadcast_in_dim3A_433 : vector<1024x1xf32> to vector<1024x128xf32>
    %eq3A_435 = arith.cmpf oeq, %convert_element_type3A, %eq3A_434 : vector<1024x128xf32>
    %select_n3A_436 = arith.select %eq3A_435, %select_n3A_418, %select_n3A_417 : vector<1024x128xi1>, vector<1024x128xf32>
    %select_n3A_437 = arith.select %eq3A_435, %select_n3A_419, %select_n3A_418 : vector<1024x128xi1>, vector<1024x128xf32>
    %select_n3A_438 = arith.select %eq3A_435, %select_n3A_422, %select_n3A_419 : vector<1024x128xi1>, vector<1024x128xf32>
    %jit3A_439 = arith.constant 0x7F800000 : f32
    %broadcast_in_dim3A_440 = vector.broadcast %jit3A_439 : f32 to vector<1024x128xf32>
    %select_n3A_441 = arith.select %eq3A_435, %broadcast_in_dim3A_440, %select_n3A_422 : vector<1024x128xi1>, vector<1024x128xf32>
    %reduce_min3A_442 = arith.constant dense<0x7F800000> : vector<1024xf32>
    %reduce_min3A_443 = vector.multi_reduction <minimumf>, %select_n3A_436, %reduce_min3A_442 [1] : vector<1024x128xf32> to vector<1024xf32>
    %broadcast_in_dim3A_444 = vector.shape_cast %reduce_min3A_443 : vector<1024xf32> to vector<1024x1xf32>
    %eq3A_445 = vector.broadcast %broadcast_in_dim3A_444 : vector<1024x1xf32> to vector<1024x128xf32>
    %eq3A_446 = arith.cmpf oeq, %select_n3A_436, %eq3A_445 : vector<1024x128xf32>
    %jit3A_447 = arith.constant 0x7F800000 : f32
    %broadcast_in_dim3A_448 = vector.broadcast %jit3A_447 : f32 to vector<1024x128xf32>
    %select_n3A_449 = arith.select %eq3A_446, %convert_element_type3A, %broadcast_in_dim3A_448 : vector<1024x128xi1>, vector<1024x128xf32>
    %reduce_min3A_450 = arith.constant dense<0x7F800000> : vector<1024xf32>
    %reduce_min3A_451 = vector.multi_reduction <minimumf>, %select_n3A_449, %reduce_min3A_450 [1] : vector<1024x128xf32> to vector<1024xf32>
    %broadcast_in_dim3A_452 = vector.shape_cast %reduce_min3A_451 : vector<1024xf32> to vector<1024x1xf32>
    %eq3A_453 = vector.broadcast %broadcast_in_dim3A_452 : vector<1024x1xf32> to vector<1024x128xf32>
    %eq3A_454 = arith.cmpf oeq, %convert_element_type3A, %eq3A_453 : vector<1024x128xf32>
    %select_n3A_455 = arith.select %eq3A_454, %select_n3A_437, %select_n3A_436 : vector<1024x128xi1>, vector<1024x128xf32>
    %select_n3A_456 = arith.select %eq3A_454, %select_n3A_438, %select_n3A_437 : vector<1024x128xi1>, vector<1024x128xf32>
    %select_n3A_457 = arith.select %eq3A_454, %select_n3A_441, %select_n3A_438 : vector<1024x128xi1>, vector<1024x128xf32>
    %jit3A_458 = arith.constant 0x7F800000 : f32
    %broadcast_in_dim3A_459 = vector.broadcast %jit3A_458 : f32 to vector<1024x128xf32>
    %select_n3A_460 = arith.select %eq3A_454, %broadcast_in_dim3A_459, %select_n3A_441 : vector<1024x128xi1>, vector<1024x128xf32>
    %reduce_min3A_461 = arith.constant dense<0x7F800000> : vector<1024xf32>
    %reduce_min3A_462 = vector.multi_reduction <minimumf>, %select_n3A_455, %reduce_min3A_461 [1] : vector<1024x128xf32> to vector<1024xf32>
    %broadcast_in_dim3A_463 = vector.shape_cast %reduce_min3A_462 : vector<1024xf32> to vector<1024x1xf32>
    %eq3A_464 = vector.broadcast %broadcast_in_dim3A_463 : vector<1024x1xf32> to vector<1024x128xf32>
    %eq3A_465 = arith.cmpf oeq, %select_n3A_455, %eq3A_464 : vector<1024x128xf32>
    %jit3A_466 = arith.constant 0x7F800000 : f32
    %broadcast_in_dim3A_467 = vector.broadcast %jit3A_466 : f32 to vector<1024x128xf32>
    %select_n3A_468 = arith.select %eq3A_465, %convert_element_type3A, %broadcast_in_dim3A_467 : vector<1024x128xi1>, vector<1024x128xf32>
    %reduce_min3A_469 = arith.constant dense<0x7F800000> : vector<1024xf32>
    %reduce_min3A_470 = vector.multi_reduction <minimumf>, %select_n3A_468, %reduce_min3A_469 [1] : vector<1024x128xf32> to vector<1024xf32>
    %broadcast_in_dim3A_471 = vector.shape_cast %reduce_min3A_470 : vector<1024xf32> to vector<1024x1xf32>
    %eq3A_472 = vector.broadcast %broadcast_in_dim3A_471 : vector<1024x1xf32> to vector<1024x128xf32>
    %eq3A_473 = arith.cmpf oeq, %convert_element_type3A, %eq3A_472 : vector<1024x128xf32>
    %select_n3A_474 = arith.select %eq3A_473, %select_n3A_456, %select_n3A_455 : vector<1024x128xi1>, vector<1024x128xf32>
    %select_n3A_475 = arith.select %eq3A_473, %select_n3A_457, %select_n3A_456 : vector<1024x128xi1>, vector<1024x128xf32>
    %select_n3A_476 = arith.select %eq3A_473, %select_n3A_460, %select_n3A_457 : vector<1024x128xi1>, vector<1024x128xf32>
    %jit3A_477 = arith.constant 0x7F800000 : f32
    %broadcast_in_dim3A_478 = vector.broadcast %jit3A_477 : f32 to vector<1024x128xf32>
    %select_n3A_479 = arith.select %eq3A_473, %broadcast_in_dim3A_478, %select_n3A_460 : vector<1024x128xi1>, vector<1024x128xf32>
    %reduce_min3A_480 = arith.constant dense<0x7F800000> : vector<1024xf32>
    %reduce_min3A_481 = vector.multi_reduction <minimumf>, %select_n3A_474, %reduce_min3A_480 [1] : vector<1024x128xf32> to vector<1024xf32>
    %broadcast_in_dim3A_482 = vector.shape_cast %reduce_min3A_481 : vector<1024xf32> to vector<1024x1xf32>
    %eq3A_483 = vector.broadcast %broadcast_in_dim3A_482 : vector<1024x1xf32> to vector<1024x128xf32>
    %eq3A_484 = arith.cmpf oeq, %select_n3A_474, %eq3A_483 : vector<1024x128xf32>
    %jit3A_485 = arith.constant 0x7F800000 : f32
    %broadcast_in_dim3A_486 = vector.broadcast %jit3A_485 : f32 to vector<1024x128xf32>
    %select_n3A_487 = arith.select %eq3A_484, %convert_element_type3A, %broadcast_in_dim3A_486 : vector<1024x128xi1>, vector<1024x128xf32>
    %reduce_min3A_488 = arith.constant dense<0x7F800000> : vector<1024xf32>
    %reduce_min3A_489 = vector.multi_reduction <minimumf>, %select_n3A_487, %reduce_min3A_488 [1] : vector<1024x128xf32> to vector<1024xf32>
    %broadcast_in_dim3A_490 = vector.shape_cast %reduce_min3A_489 : vector<1024xf32> to vector<1024x1xf32>
    %eq3A_491 = vector.broadcast %broadcast_in_dim3A_490 : vector<1024x1xf32> to vector<1024x128xf32>
    %eq3A_492 = arith.cmpf oeq, %convert_element_type3A, %eq3A_491 : vector<1024x128xf32>
    %select_n3A_493 = arith.select %eq3A_492, %select_n3A_475, %select_n3A_474 : vector<1024x128xi1>, vector<1024x128xf32>
    %select_n3A_494 = arith.select %eq3A_492, %select_n3A_476, %select_n3A_475 : vector<1024x128xi1>, vector<1024x128xf32>
    %select_n3A_495 = arith.select %eq3A_492, %select_n3A_479, %select_n3A_476 : vector<1024x128xi1>, vector<1024x128xf32>
    %jit3A_496 = arith.constant 0x7F800000 : f32
    %broadcast_in_dim3A_497 = vector.broadcast %jit3A_496 : f32 to vector<1024x128xf32>
    %select_n3A_498 = arith.select %eq3A_492, %broadcast_in_dim3A_497, %select_n3A_479 : vector<1024x128xi1>, vector<1024x128xf32>
    %reduce_min3A_499 = arith.constant dense<0x7F800000> : vector<1024xf32>
    %reduce_min3A_500 = vector.multi_reduction <minimumf>, %select_n3A_493, %reduce_min3A_499 [1] : vector<1024x128xf32> to vector<1024xf32>
    %broadcast_in_dim3A_501 = vector.shape_cast %reduce_min3A_500 : vector<1024xf32> to vector<1024x1xf32>
    %eq3A_502 = vector.broadcast %broadcast_in_dim3A_501 : vector<1024x1xf32> to vector<1024x128xf32>
    %eq3A_503 = arith.cmpf oeq, %select_n3A_493, %eq3A_502 : vector<1024x128xf32>
    %jit3A_504 = arith.constant 0x7F800000 : f32
    %broadcast_in_dim3A_505 = vector.broadcast %jit3A_504 : f32 to vector<1024x128xf32>
    %select_n3A_506 = arith.select %eq3A_503, %convert_element_type3A, %broadcast_in_dim3A_505 : vector<1024x128xi1>, vector<1024x128xf32>
    %reduce_min3A_507 = arith.constant dense<0x7F800000> : vector<1024xf32>
    %reduce_min3A_508 = vector.multi_reduction <minimumf>, %select_n3A_506, %reduce_min3A_507 [1] : vector<1024x128xf32> to vector<1024xf32>
    %broadcast_in_dim3A_509 = vector.shape_cast %reduce_min3A_508 : vector<1024xf32> to vector<1024x1xf32>
    %eq3A_510 = vector.broadcast %broadcast_in_dim3A_509 : vector<1024x1xf32> to vector<1024x128xf32>
    %eq3A_511 = arith.cmpf oeq, %convert_element_type3A, %eq3A_510 : vector<1024x128xf32>
    %select_n3A_512 = arith.select %eq3A_511, %select_n3A_494, %select_n3A_493 : vector<1024x128xi1>, vector<1024x128xf32>
    %select_n3A_513 = arith.select %eq3A_511, %select_n3A_495, %select_n3A_494 : vector<1024x128xi1>, vector<1024x128xf32>
    %select_n3A_514 = arith.select %eq3A_511, %select_n3A_498, %select_n3A_495 : vector<1024x128xi1>, vector<1024x128xf32>
    %jit3A_515 = arith.constant 0x7F800000 : f32
    %broadcast_in_dim3A_516 = vector.broadcast %jit3A_515 : f32 to vector<1024x128xf32>
    %select_n3A_517 = arith.select %eq3A_511, %broadcast_in_dim3A_516, %select_n3A_498 : vector<1024x128xi1>, vector<1024x128xf32>
    %reduce_min3A_518 = arith.constant dense<0x7F800000> : vector<1024xf32>
    %reduce_min3A_519 = vector.multi_reduction <minimumf>, %select_n3A_512, %reduce_min3A_518 [1] : vector<1024x128xf32> to vector<1024xf32>
    %broadcast_in_dim3A_520 = vector.shape_cast %reduce_min3A_519 : vector<1024xf32> to vector<1024x1xf32>
    %eq3A_521 = vector.broadcast %broadcast_in_dim3A_520 : vector<1024x1xf32> to vector<1024x128xf32>
    %eq3A_522 = arith.cmpf oeq, %select_n3A_512, %eq3A_521 : vector<1024x128xf32>
    %jit3A_523 = arith.constant 0x7F800000 : f32
    %broadcast_in_dim3A_524 = vector.broadcast %jit3A_523 : f32 to vector<1024x128xf32>
    %select_n3A_525 = arith.select %eq3A_522, %convert_element_type3A, %broadcast_in_dim3A_524 : vector<1024x128xi1>, vector<1024x128xf32>
    %reduce_min3A_526 = arith.constant dense<0x7F800000> : vector<1024xf32>
    %reduce_min3A_527 = vector.multi_reduction <minimumf>, %select_n3A_525, %reduce_min3A_526 [1] : vector<1024x128xf32> to vector<1024xf32>
    %broadcast_in_dim3A_528 = vector.shape_cast %reduce_min3A_527 : vector<1024xf32> to vector<1024x1xf32>
    %eq3A_529 = vector.broadcast %broadcast_in_dim3A_528 : vector<1024x1xf32> to vector<1024x128xf32>
    %eq3A_530 = arith.cmpf oeq, %convert_element_type3A, %eq3A_529 : vector<1024x128xf32>
    %select_n3A_531 = arith.select %eq3A_530, %select_n3A_513, %select_n3A_512 : vector<1024x128xi1>, vector<1024x128xf32>
    %select_n3A_532 = arith.select %eq3A_530, %select_n3A_514, %select_n3A_513 : vector<1024x128xi1>, vector<1024x128xf32>
    %select_n3A_533 = arith.select %eq3A_530, %select_n3A_517, %select_n3A_514 : vector<1024x128xi1>, vector<1024x128xf32>
    %jit3A_534 = arith.constant 0x7F800000 : f32
    %broadcast_in_dim3A_535 = vector.broadcast %jit3A_534 : f32 to vector<1024x128xf32>
    %select_n3A_536 = arith.select %eq3A_530, %broadcast_in_dim3A_535, %select_n3A_517 : vector<1024x128xi1>, vector<1024x128xf32>
    %reduce_min3A_537 = arith.constant dense<0x7F800000> : vector<1024xf32>
    %reduce_min3A_538 = vector.multi_reduction <minimumf>, %select_n3A_531, %reduce_min3A_537 [1] : vector<1024x128xf32> to vector<1024xf32>
    %broadcast_in_dim3A_539 = vector.shape_cast %reduce_min3A_538 : vector<1024xf32> to vector<1024x1xf32>
    %eq3A_540 = vector.broadcast %broadcast_in_dim3A_539 : vector<1024x1xf32> to vector<1024x128xf32>
    %eq3A_541 = arith.cmpf oeq, %select_n3A_531, %eq3A_540 : vector<1024x128xf32>
    %jit3A_542 = arith.constant 0x7F800000 : f32
    %broadcast_in_dim3A_543 = vector.broadcast %jit3A_542 : f32 to vector<1024x128xf32>
    %select_n3A_544 = arith.select %eq3A_541, %convert_element_type3A, %broadcast_in_dim3A_543 : vector<1024x128xi1>, vector<1024x128xf32>
    %reduce_min3A_545 = arith.constant dense<0x7F800000> : vector<1024xf32>
    %reduce_min3A_546 = vector.multi_reduction <minimumf>, %select_n3A_544, %reduce_min3A_545 [1] : vector<1024x128xf32> to vector<1024xf32>
    %broadcast_in_dim3A_547 = vector.shape_cast %reduce_min3A_546 : vector<1024xf32> to vector<1024x1xf32>
    %eq3A_548 = vector.broadcast %broadcast_in_dim3A_547 : vector<1024x1xf32> to vector<1024x128xf32>
    %eq3A_549 = arith.cmpf oeq, %convert_element_type3A, %eq3A_548 : vector<1024x128xf32>
    %select_n3A_550 = arith.select %eq3A_549, %select_n3A_532, %select_n3A_531 : vector<1024x128xi1>, vector<1024x128xf32>
    %select_n3A_551 = arith.select %eq3A_549, %select_n3A_533, %select_n3A_532 : vector<1024x128xi1>, vector<1024x128xf32>
    %select_n3A_552 = arith.select %eq3A_549, %select_n3A_536, %select_n3A_533 : vector<1024x128xi1>, vector<1024x128xf32>
    %jit3A_553 = arith.constant 0x7F800000 : f32
    %broadcast_in_dim3A_554 = vector.broadcast %jit3A_553 : f32 to vector<1024x128xf32>
    %select_n3A_555 = arith.select %eq3A_549, %broadcast_in_dim3A_554, %select_n3A_536 : vector<1024x128xi1>, vector<1024x128xf32>
    %reduce_min3A_556 = arith.constant dense<0x7F800000> : vector<1024xf32>
    %reduce_min3A_557 = vector.multi_reduction <minimumf>, %select_n3A_550, %reduce_min3A_556 [1] : vector<1024x128xf32> to vector<1024xf32>
    %broadcast_in_dim3A_558 = vector.shape_cast %reduce_min3A_557 : vector<1024xf32> to vector<1024x1xf32>
    %eq3A_559 = vector.broadcast %broadcast_in_dim3A_558 : vector<1024x1xf32> to vector<1024x128xf32>
    %eq3A_560 = arith.cmpf oeq, %select_n3A_550, %eq3A_559 : vector<1024x128xf32>
    %jit3A_561 = arith.constant 0x7F800000 : f32
    %broadcast_in_dim3A_562 = vector.broadcast %jit3A_561 : f32 to vector<1024x128xf32>
    %select_n3A_563 = arith.select %eq3A_560, %convert_element_type3A, %broadcast_in_dim3A_562 : vector<1024x128xi1>, vector<1024x128xf32>
    %reduce_min3A_564 = arith.constant dense<0x7F800000> : vector<1024xf32>
    %reduce_min3A_565 = vector.multi_reduction <minimumf>, %select_n3A_563, %reduce_min3A_564 [1] : vector<1024x128xf32> to vector<1024xf32>
    %broadcast_in_dim3A_566 = vector.shape_cast %reduce_min3A_565 : vector<1024xf32> to vector<1024x1xf32>
    %eq3A_567 = vector.broadcast %broadcast_in_dim3A_566 : vector<1024x1xf32> to vector<1024x128xf32>
    %eq3A_568 = arith.cmpf oeq, %convert_element_type3A, %eq3A_567 : vector<1024x128xf32>
    %select_n3A_569 = arith.select %eq3A_568, %select_n3A_551, %select_n3A_550 : vector<1024x128xi1>, vector<1024x128xf32>
    %select_n3A_570 = arith.select %eq3A_568, %select_n3A_552, %select_n3A_551 : vector<1024x128xi1>, vector<1024x128xf32>
    %select_n3A_571 = arith.select %eq3A_568, %select_n3A_555, %select_n3A_552 : vector<1024x128xi1>, vector<1024x128xf32>
    %jit3A_572 = arith.constant 0x7F800000 : f32
    %broadcast_in_dim3A_573 = vector.broadcast %jit3A_572 : f32 to vector<1024x128xf32>
    %select_n3A_574 = arith.select %eq3A_568, %broadcast_in_dim3A_573, %select_n3A_555 : vector<1024x128xi1>, vector<1024x128xf32>
    %reduce_min3A_575 = arith.constant dense<0x7F800000> : vector<1024xf32>
    %reduce_min3A_576 = vector.multi_reduction <minimumf>, %select_n3A_569, %reduce_min3A_575 [1] : vector<1024x128xf32> to vector<1024xf32>
    %broadcast_in_dim3A_577 = vector.shape_cast %reduce_min3A_576 : vector<1024xf32> to vector<1024x1xf32>
    %eq3A_578 = vector.broadcast %broadcast_in_dim3A_577 : vector<1024x1xf32> to vector<1024x128xf32>
    %eq3A_579 = arith.cmpf oeq, %select_n3A_569, %eq3A_578 : vector<1024x128xf32>
    %jit3A_580 = arith.constant 0x7F800000 : f32
    %broadcast_in_dim3A_581 = vector.broadcast %jit3A_580 : f32 to vector<1024x128xf32>
    %select_n3A_582 = arith.select %eq3A_579, %convert_element_type3A, %broadcast_in_dim3A_581 : vector<1024x128xi1>, vector<1024x128xf32>
    %reduce_min3A_583 = arith.constant dense<0x7F800000> : vector<1024xf32>
    %reduce_min3A_584 = vector.multi_reduction <minimumf>, %select_n3A_582, %reduce_min3A_583 [1] : vector<1024x128xf32> to vector<1024xf32>
    %broadcast_in_dim3A_585 = vector.shape_cast %reduce_min3A_584 : vector<1024xf32> to vector<1024x1xf32>
    %eq3A_586 = vector.broadcast %broadcast_in_dim3A_585 : vector<1024x1xf32> to vector<1024x128xf32>
    %eq3A_587 = arith.cmpf oeq, %convert_element_type3A, %eq3A_586 : vector<1024x128xf32>
    %select_n3A_588 = arith.select %eq3A_587, %select_n3A_570, %select_n3A_569 : vector<1024x128xi1>, vector<1024x128xf32>
    %select_n3A_589 = arith.select %eq3A_587, %select_n3A_571, %select_n3A_570 : vector<1024x128xi1>, vector<1024x128xf32>
    %select_n3A_590 = arith.select %eq3A_587, %select_n3A_574, %select_n3A_571 : vector<1024x128xi1>, vector<1024x128xf32>
    %jit3A_591 = arith.constant 0x7F800000 : f32
    %broadcast_in_dim3A_592 = vector.broadcast %jit3A_591 : f32 to vector<1024x128xf32>
    %select_n3A_593 = arith.select %eq3A_587, %broadcast_in_dim3A_592, %select_n3A_574 : vector<1024x128xi1>, vector<1024x128xf32>
    %reduce_min3A_594 = arith.constant dense<0x7F800000> : vector<1024xf32>
    %reduce_min3A_595 = vector.multi_reduction <minimumf>, %select_n3A_588, %reduce_min3A_594 [1] : vector<1024x128xf32> to vector<1024xf32>
    %broadcast_in_dim3A_596 = vector.shape_cast %reduce_min3A_595 : vector<1024xf32> to vector<1024x1xf32>
    %eq3A_597 = vector.broadcast %broadcast_in_dim3A_596 : vector<1024x1xf32> to vector<1024x128xf32>
    %eq3A_598 = arith.cmpf oeq, %select_n3A_588, %eq3A_597 : vector<1024x128xf32>
    %jit3A_599 = arith.constant 0x7F800000 : f32
    %broadcast_in_dim3A_600 = vector.broadcast %jit3A_599 : f32 to vector<1024x128xf32>
    %select_n3A_601 = arith.select %eq3A_598, %convert_element_type3A, %broadcast_in_dim3A_600 : vector<1024x128xi1>, vector<1024x128xf32>
    %reduce_min3A_602 = arith.constant dense<0x7F800000> : vector<1024xf32>
    %reduce_min3A_603 = vector.multi_reduction <minimumf>, %select_n3A_601, %reduce_min3A_602 [1] : vector<1024x128xf32> to vector<1024xf32>
    %broadcast_in_dim3A_604 = vector.shape_cast %reduce_min3A_603 : vector<1024xf32> to vector<1024x1xf32>
    %eq3A_605 = vector.broadcast %broadcast_in_dim3A_604 : vector<1024x1xf32> to vector<1024x128xf32>
    %eq3A_606 = arith.cmpf oeq, %convert_element_type3A, %eq3A_605 : vector<1024x128xf32>
    %select_n3A_607 = arith.select %eq3A_606, %select_n3A_589, %select_n3A_588 : vector<1024x128xi1>, vector<1024x128xf32>
    %select_n3A_608 = arith.select %eq3A_606, %select_n3A_590, %select_n3A_589 : vector<1024x128xi1>, vector<1024x128xf32>
    %select_n3A_609 = arith.select %eq3A_606, %select_n3A_593, %select_n3A_590 : vector<1024x128xi1>, vector<1024x128xf32>
    %jit3A_610 = arith.constant 0x7F800000 : f32
    %broadcast_in_dim3A_611 = vector.broadcast %jit3A_610 : f32 to vector<1024x128xf32>
    %select_n3A_612 = arith.select %eq3A_606, %broadcast_in_dim3A_611, %select_n3A_593 : vector<1024x128xi1>, vector<1024x128xf32>
    %reduce_min3A_613 = arith.constant dense<0x7F800000> : vector<1024xf32>
    %reduce_min3A_614 = vector.multi_reduction <minimumf>, %select_n3A_607, %reduce_min3A_613 [1] : vector<1024x128xf32> to vector<1024xf32>
    %broadcast_in_dim3A_615 = vector.shape_cast %reduce_min3A_614 : vector<1024xf32> to vector<1024x1xf32>
    %eq3A_616 = vector.broadcast %broadcast_in_dim3A_615 : vector<1024x1xf32> to vector<1024x128xf32>
    %eq3A_617 = arith.cmpf oeq, %select_n3A_607, %eq3A_616 : vector<1024x128xf32>
    %jit3A_618 = arith.constant 0x7F800000 : f32
    %broadcast_in_dim3A_619 = vector.broadcast %jit3A_618 : f32 to vector<1024x128xf32>
    %select_n3A_620 = arith.select %eq3A_617, %convert_element_type3A, %broadcast_in_dim3A_619 : vector<1024x128xi1>, vector<1024x128xf32>
    %reduce_min3A_621 = arith.constant dense<0x7F800000> : vector<1024xf32>
    %reduce_min3A_622 = vector.multi_reduction <minimumf>, %select_n3A_620, %reduce_min3A_621 [1] : vector<1024x128xf32> to vector<1024xf32>
    %broadcast_in_dim3A_623 = vector.shape_cast %reduce_min3A_622 : vector<1024xf32> to vector<1024x1xf32>
    %eq3A_624 = vector.broadcast %broadcast_in_dim3A_623 : vector<1024x1xf32> to vector<1024x128xf32>
    %eq3A_625 = arith.cmpf oeq, %convert_element_type3A, %eq3A_624 : vector<1024x128xf32>
    %select_n3A_626 = arith.select %eq3A_625, %select_n3A_608, %select_n3A_607 : vector<1024x128xi1>, vector<1024x128xf32>
    %select_n3A_627 = arith.select %eq3A_625, %select_n3A_609, %select_n3A_608 : vector<1024x128xi1>, vector<1024x128xf32>
    %select_n3A_628 = arith.select %eq3A_625, %select_n3A_612, %select_n3A_609 : vector<1024x128xi1>, vector<1024x128xf32>
    %reduce_min3A_629 = arith.constant dense<0x7F800000> : vector<1024xf32>
    %reduce_min3A_630 = vector.multi_reduction <minimumf>, %select_n3A_626, %reduce_min3A_629 [1] : vector<1024x128xf32> to vector<1024xf32>
    %broadcast_in_dim3A_631 = vector.shape_cast %reduce_min3A_630 : vector<1024xf32> to vector<1024x1xf32>
    %eq3A_632 = vector.broadcast %broadcast_in_dim3A_631 : vector<1024x1xf32> to vector<1024x128xf32>
    %eq3A_633 = arith.cmpf oeq, %select_n3A_626, %eq3A_632 : vector<1024x128xf32>
    %jit3A_634 = arith.constant 0x7F800000 : f32
    %broadcast_in_dim3A_635 = vector.broadcast %jit3A_634 : f32 to vector<1024x128xf32>
    %select_n3A_636 = arith.select %eq3A_633, %convert_element_type3A, %broadcast_in_dim3A_635 : vector<1024x128xi1>, vector<1024x128xf32>
    %reduce_min3A_637 = arith.constant dense<0x7F800000> : vector<1024xf32>
    %reduce_min3A_638 = vector.multi_reduction <minimumf>, %select_n3A_636, %reduce_min3A_637 [1] : vector<1024x128xf32> to vector<1024xf32>
    %broadcast_in_dim3A_639 = vector.shape_cast %reduce_min3A_638 : vector<1024xf32> to vector<1024x1xf32>
    %eq3A_640 = vector.broadcast %broadcast_in_dim3A_639 : vector<1024x1xf32> to vector<1024x128xf32>
    %eq3A_641 = arith.cmpf oeq, %convert_element_type3A, %eq3A_640 : vector<1024x128xf32>
    %select_n3A_642 = arith.select %eq3A_641, %select_n3A_627, %select_n3A_626 : vector<1024x128xi1>, vector<1024x128xf32>
    %select_n3A_643 = arith.select %eq3A_641, %select_n3A_628, %select_n3A_627 : vector<1024x128xi1>, vector<1024x128xf32>
    %reduce_min3A_644 = arith.constant dense<0x7F800000> : vector<1024xf32>
    %reduce_min3A_645 = vector.multi_reduction <minimumf>, %select_n3A_642, %reduce_min3A_644 [1] : vector<1024x128xf32> to vector<1024xf32>
    %broadcast_in_dim3A_646 = vector.shape_cast %reduce_min3A_645 : vector<1024xf32> to vector<1024x1xf32>
    %eq3A_647 = vector.broadcast %broadcast_in_dim3A_646 : vector<1024x1xf32> to vector<1024x128xf32>
    %eq3A_648 = arith.cmpf oeq, %select_n3A_642, %eq3A_647 : vector<1024x128xf32>
    %jit3A_649 = arith.constant 0x7F800000 : f32
    %broadcast_in_dim3A_650 = vector.broadcast %jit3A_649 : f32 to vector<1024x128xf32>
    %select_n3A_651 = arith.select %eq3A_648, %convert_element_type3A, %broadcast_in_dim3A_650 : vector<1024x128xi1>, vector<1024x128xf32>
    %reduce_min3A_652 = arith.constant dense<0x7F800000> : vector<1024xf32>
    %reduce_min3A_653 = vector.multi_reduction <minimumf>, %select_n3A_651, %reduce_min3A_652 [1] : vector<1024x128xf32> to vector<1024xf32>
    %broadcast_in_dim3A_654 = vector.shape_cast %reduce_min3A_653 : vector<1024xf32> to vector<1024x1xf32>
    %eq3A_655 = vector.broadcast %broadcast_in_dim3A_654 : vector<1024x1xf32> to vector<1024x128xf32>
    %eq3A_656 = arith.cmpf oeq, %convert_element_type3A, %eq3A_655 : vector<1024x128xf32>
    %select_n3A_657 = arith.select %eq3A_656, %select_n3A_643, %select_n3A_642 : vector<1024x128xi1>, vector<1024x128xf32>
    %reduce_min3A_658 = arith.constant dense<0x7F800000> : vector<1024xf32>
    %reduce_min3A_659 = vector.multi_reduction <minimumf>, %select_n3A_657, %reduce_min3A_658 [1] : vector<1024x128xf32> to vector<1024xf32>
    %broadcast_in_dim3A_660 = vector.shape_cast %reduce_min3A_659 : vector<1024xf32> to vector<1024x1xf32>
    %eq3A_661 = vector.broadcast %broadcast_in_dim3A_660 : vector<1024x1xf32> to vector<1024x128xf32>
    %eq3A_662 = arith.cmpf oeq, %select_n3A_657, %eq3A_661 : vector<1024x128xf32>
    %jit3A_663 = arith.constant 0x7F800000 : f32
    %broadcast_in_dim3A_664 = vector.broadcast %jit3A_663 : f32 to vector<1024x128xf32>
    %select_n3A_665 = arith.select %eq3A_662, %convert_element_type3A, %broadcast_in_dim3A_664 : vector<1024x128xi1>, vector<1024x128xf32>
    %reduce_min3A_666 = arith.constant dense<0x7F800000> : vector<1024xf32>
    %reduce_min3A_667 = vector.multi_reduction <minimumf>, %select_n3A_665, %reduce_min3A_666 [1] : vector<1024x128xf32> to vector<1024xf32>
    %broadcast_in_dim3A_668 = vector.shape_cast %reduce_min3A_667 : vector<1024xf32> to vector<1024x1xf32>
    %concatenate3A = tpu.concatenate %broadcast_in_dim3A_390, %broadcast_in_dim3A_406, %broadcast_in_dim3A_425, %broadcast_in_dim3A_444, %broadcast_in_dim3A_463, %broadcast_in_dim3A_482, %broadcast_in_dim3A_501, %broadcast_in_dim3A_520, %broadcast_in_dim3A_539, %broadcast_in_dim3A_558, %broadcast_in_dim3A_577, %broadcast_in_dim3A_596, %broadcast_in_dim3A_615, %broadcast_in_dim3A_631, %broadcast_in_dim3A_646, %broadcast_in_dim3A_660 in 1 : vector<1024x1xf32>, vector<1024x1xf32>, vector<1024x1xf32>, vector<1024x1xf32>, vector<1024x1xf32>, vector<1024x1xf32>, vector<1024x1xf32>, vector<1024x1xf32>, vector<1024x1xf32>, vector<1024x1xf32>, vector<1024x1xf32>, vector<1024x1xf32>, vector<1024x1xf32>, vector<1024x1xf32>, vector<1024x1xf32>, vector<1024x1xf32> -> vector<1024x16xf32>
    %bitcast_convert_type3A_669 = tpu.bitcast %concatenate3A : vector<1024x16xf32> -> vector<1024x16xi32>
    %concatenate3A_670 = tpu.concatenate %broadcast_in_dim3A_395, %broadcast_in_dim3A_414, %broadcast_in_dim3A_433, %broadcast_in_dim3A_452, %broadcast_in_dim3A_471, %broadcast_in_dim3A_490, %broadcast_in_dim3A_509, %broadcast_in_dim3A_528, %broadcast_in_dim3A_547, %broadcast_in_dim3A_566, %broadcast_in_dim3A_585, %broadcast_in_dim3A_604, %broadcast_in_dim3A_623, %broadcast_in_dim3A_639, %broadcast_in_dim3A_654, %broadcast_in_dim3A_668 in 1 : vector<1024x1xf32>, vector<1024x1xf32>, vector<1024x1xf32>, vector<1024x1xf32>, vector<1024x1xf32>, vector<1024x1xf32>, vector<1024x1xf32>, vector<1024x1xf32>, vector<1024x1xf32>, vector<1024x1xf32>, vector<1024x1xf32>, vector<1024x1xf32>, vector<1024x1xf32>, vector<1024x1xf32>, vector<1024x1xf32>, vector<1024x1xf32> -> vector<1024x16xf32>
    %convert_element_type3A_671 = arith.fptosi %concatenate3A_670 : vector<1024x16xf32> to vector<1024x16xi32>
    %and3A_672 = arith.constant 15 : i32
    %and3A_673 = vector.broadcast %and3A_672 : i32 to vector<1024x16xi32>
    %and3A_674 = arith.andi %bitcast_convert_type3A_669, %and3A_673 : vector<1024x16xi32>
    %not3A_675 = arith.constant 15 : i32
    %not3A_676 = arith.constant -1 : i32
    %not3A_677 = arith.xori %not3A_675, %not3A_676 : i32
    %and3A_678 = vector.broadcast %not3A_677 : i32 to vector<1024x16xi32>
    %and3A_679 = arith.andi %bitcast_convert_type3A_669, %and3A_678 : vector<1024x16xi32>
    %bitcast_convert_type3A_680 = tpu.bitcast %and3A_679 : vector<1024x16xi32> -> vector<1024x16xf32>
    %sub3A = arith.constant 1.000000e+00 : f32
    %sub3A_681 = vector.broadcast %sub3A : f32 to vector<1024x16xf32>
    %sub3A_682 = arith.subf %bitcast_convert_type3A_680, %sub3A_681 : vector<1024x16xf32>
    %swap3A = arith.constant 0 : index
    %swap3A_683 = arith.constant 0 : index
    %swap3A_684 = vector.load %arg4[%swap3A, %swap3A_683] : memref<1024x16xf32, #tpu.memory_space<vmem>>, vector<1024x16xf32>
    tpu.vector_store %arg4[%swap3A, %swap3A_683], %sub3A_682 {strides = array<i32>} : memref<1024x16xf32, #tpu.memory_space<vmem>>, vector<1024x16xf32>,
    %mul3A_685 = arith.constant 128 : i32
    %mul3A_686 = vector.broadcast %mul3A_685 : i32 to vector<1024x16xi32>
    %mul3A_687 = arith.muli %and3A_674, %mul3A_686 : vector<1024x16xi32>
    %add3A_688 = arith.addi %mul3A_687, %convert_element_type3A_671 : vector<1024x16xi32>
    %swap3A_689 = arith.constant 0 : index
    %swap3A_690 = arith.constant 0 : index
    %swap3A_691 = vector.load %arg5[%swap3A_689, %swap3A_690] : memref<1024x16xi32, #tpu.memory_space<vmem>>, vector<1024x16xi32>
    tpu.vector_store %arg5[%swap3A_689, %swap3A_690], %add3A_688 {strides = array<i32>} : memref<1024x16xi32, #tpu.memory_space<vmem>>, vector<1024x16xi32>,
    return
  }
  func.func @transform_0(%arg0: i32, %arg1: i32) -> (i32, i32) {
    %mul3A = arith.constant 2 : i32
    %mul3A_0 = arith.muli %arg0, %mul3A : i32
    %add3A = arith.addi %mul3A_0, %arg1 : i32
    %c0_i32 = arith.constant 0 : i32
    %c0_i32_1 = arith.constant 0 : i32
    return %add3A, %c0_i32 : i32, i32
  }
  func.func @transform_1(%arg0: i32, %arg1: i32) -> (i32, i32) {
    %c0_i32 = arith.constant 0 : i32
    %c0_i32_0 = arith.constant 0 : i32
    return %arg0, %c0_i32 : i32, i32
  }
  func.func @transform_2(%arg0: i32, %arg1: i32) -> (i32, i32) {
    %mul3A = arith.constant 2 : i32
    %mul3A_0 = arith.muli %arg0, %mul3A : i32
    %add3A = arith.addi %mul3A_0, %arg1 : i32
    %c0_i32 = arith.constant 0 : i32
    %c0_i32_1 = arith.constant 0 : i32
    return %add3A, %c0_i32 : i32, i32
  }
  func.func @transform_3(%arg0: i32, %arg1: i32) -> (i32, i32) {
    %mul3A = arith.constant 2 : i32
    %mul3A_0 = arith.muli %arg0, %mul3A : i32
    %add3A = arith.addi %mul3A_0, %arg1 : i32
    %c0_i32 = arith.constant 0 : i32
    %c0_i32_1 = arith.constant 0 : i32
    return %add3A, %c0_i32 : i32, i32
  }
}

</mosaic_0001>

<sc_bundles>
// kernel: kernel.4.cloned.1.call-start
scs
__scs_entry_jumppad:
0x0: {  	(pc) =	sbr.rel $0x88, $3  }
0x1: {  	(tag) =	ssettag $0x0;
	lr =	simm.s32 $0x1  }
0x2: {  	[smem:$0x3F9F] =	sst lr;
	_ =	strace $0xD0000000  }
0x3: {  	_ = 	snop  }
0x4: {  	_ = 	snop  }
0x5: {  	_ = 	snop  }
0x6: {  	_ = 	snop  }
0x7: {  	_ = 	snop  }
__scs_overlays_trampoline_lowered:
0x8: {  	[smem:$0x3FAE] =	sst s0  }
0x9: {  	[smem:$0x3FAF] =	sst s1  }
0xa: {  	[smem:$0x3FB0] =	sst s2  }
0xb: {  	[smem:$0x3FB1] =	sst s3  }
0xc: {  	[smem:$0x3FB2] =	sst s4  }
0xd: {  	[smem:$0x3FB3] =	sst s5  }
0xe: {  	[smem:$0x3FB4] =	sst s6  }
0xf: {  	[smem:$0x3FB5] =	sst s7  }
0x10: {  	[smem:$0x3FB6] =	sst s8  }
0x11: {  	[smem:$0x3FB7] =	sst s9;
	s0 =	simm.s32 @!p0 $0x0  }
0x12: {  	s1 =	sld [smem:$0x3F9D];
	s0 =	simm.s32 @p0 $0x1  }
0x13: {  	[smem:$0x3FB8] =	sst s0;
	s0 =	simm.s32 @!p1 $0x0  }
0x14: {  	s2 =	sld [smem:$0x3F9C];
	s0 =	simm.s32 @p1 $0x1  }
0x15: {  	[smem:$0x3FB9] =	sst s0;
	s0 =	simm.s32 @!p2 $0x0  }
0x16: {  	s3 =	sld [smem:$0x3FDB];
	s0 =	simm.s32 @p2 $0x1  }
0x17: {  	s4 =	simm.s32 $0x1BF5;
	[smem:$0x3FBB] =	sst s0  }
0x18: {  	s0 =	sld [smem:$0x3F9E];
	_ =	swait.ge [sflag:s4], $0x0  }
0x19: {  	s7 =	sld [smem:$0x3F9F]  }
0x1a: {  	s8 =	sadd.s32 $0xFFFFE003, lr  }
0x1b: {  	s9 =	sadd.s32 $0xFFFFFEF7, lr;
	s5 =	simm.s32 $0xFFFFFFFF;
	p2 =	slt.u32 s8, $0xFFFFF086  }
0x1c: {  	p1 =	slt.u32 s9, $0xF7A;
	s5 =	simm.s32 @!p2 $0x0  }
0x1d: {  	s5 =	simm.s32 @p1 $0x1;
	p0 =	seq.s32 s7, s2  }
0x1e: {  	s7 =	smul.u32 @!p0 $0xF7A, s2;
	p2 =	seq.s32 @!p0 s5, $0x0  }
0x1f: {  	s9 =	smul.u32 $0xF7A, s1;
	s8 =	simm.s32 @!p0 $0x1BF5;
	p2 =	por !p2, p0  }
0x20: {  	[sflag:s8] =	ssyncset.s32 @!p0 $0xFFFFF086;
	s6 =	sadd.s32 @!p0 s3, s7;
	s7 =	simm.s32 @!p0 $0x108  }
0x21: {  	s3 =	sadd.s32 s3, s9;
	s6 =	sadd.s32 @!p0 $0x88, s6;
	s7 =	simm.s32 @p2 $0x1082  }
0x22: {  	[simem:s7], [sflag:s8] =	dma.local @!p0 [hbm:s6], $0xF7A  }
0x23: {  	s9 =	sor.u32 $0xD0000000, s2;
	s6 =	simm.s32 $0x108;
	_ =	swait.ge @!p0 [sflag:s8], $0x0  }
0x24: {  	s3 =	sadd.s32 $0x88, s3;
	s6 =	simm.s32 @!p1 $0x1082;
	[sflag:s4] =	ssyncset.s32 $0xFFFFF086  }
0x25: {  	[simem:s6], [sflag:s4] =	dma.local [hbm:s3], $0xF7A  }
0x26: {  	[smem:$0x3F9F] =	sst s1;
	(tag) =	ssettag s2;
	_ =	strace s9  }
0x27: {  	s1 =	sld [smem:$0x3FAF]  }
0x28: {  	s2 =	sld [smem:$0x3FB0]  }
0x29: {  	s4 =	sld [smem:$0x3FB2]  }
0x2a: {  	p0 =	seq.s32 s5, $0x0;
	s5 =	sld [smem:$0x3FB3]  }
0x2b: {  	s6 =	sld [smem:$0x3FB4]  }
0x2c: {  	s7 =	sld [smem:$0x3FB5]  }
0x2d: {  	s3 =	simm.s32 $0x108;
	s8 =	sld [smem:$0x3FB6]  }
0x2e: {  	s3 =	simm.s32 @!p0 $0x1082;
	s9 =	sld [smem:$0x3FB7]  }
0x2f: {  	lr =	sadd.s32 s0, s3;
	s0 =	sld [smem:$0x3FAE]  }
0x30: {  	s3 =	sld [smem:$0x3FB1]  }
0x31: {  	[smem:$0x3FBA] =	sst s10  }
0x32: {  	s10 =	sld [smem:$0x3FB8];
	_ =	sdelay $0x3  }
0x33: {  	p0 =	seq.s32 s10, $0x1;
	s10 =	sld [smem:$0x3FBA];
	_ =	sdelay $0x3  }
0x34: {  	[smem:$0x3FBA] =	sst s10  }
0x35: {  	s10 =	sld [smem:$0x3FB9];
	_ =	sdelay $0x3  }
0x36: {  	p1 =	seq.s32 s10, $0x1;
	s10 =	sld [smem:$0x3FBA];
	_ =	sdelay $0x3  }
0x37: {  	[smem:$0x3FBA] =	sst s10  }
0x38: {  	s10 =	sld [smem:$0x3FBB]  }
0x39: {  	_ = 	snop;
	(pc) =	sbr.ind lr, $3  }
0x3a: {  	_ = 	snop  }
0x3b: {  	_ = 	snop  }
0x3c: {  	p2 =	seq.s32 s10, $0x1;
	s10 =	sld [smem:$0x3FBA]  }
0x3d: {  	_ =	shalt  }
0x3e: {  	_ =	shalt  }
0x3f: {  	_ =	shalt  }
0x40: {  	_ =	shalt  }
0x41: {  	_ =	shalt  }
0x42: {  	_ =	shalt  }
0x43: {  	_ =	shalt  }
0x44: {  	_ =	shalt  }
0x45: {  	_ =	shalt  }
0x46: {  	_ =	shalt  }
0x47: {  	_ =	shalt  }
0x48: {  	_ =	shalt  }
0x49: {  	_ =	shalt  }
0x4a: {  	_ =	shalt  }
0x4b: {  	_ =	shalt  }
0x4c: {  	_ =	shalt  }
0x4d: {  	_ =	shalt  }
0x4e: {  	_ =	shalt  }
0x4f: {  	_ =	shalt  }
0x50: {  	_ =	shalt  }
0x51: {  	_ =	shalt  }
0x52: {  	_ =	shalt  }
0x53: {  	_ =	shalt  }
0x54: {  	_ =	shalt  }
0x55: {  	_ =	shalt  }
0x56: {  	_ =	shalt  }
0x57: {  	_ =	shalt  }
0x58: {  	_ =	shalt  }
0x59: {  	_ =	shalt  }
0x5a: {  	_ =	shalt  }
0x5b: {  	_ =	shalt  }
0x5c: {  	_ =	shalt  }
0x5d: {  	_ =	shalt  }
0x5e: {  	_ =	shalt  }
0x5f: {  	_ =	shalt  }
0x60: {  	_ =	shalt  }
0x61: {  	_ =	shalt  }
0x62: {  	_ =	shalt  }
0x63: {  	_ =	shalt  }
0x64: {  	_ =	shalt  }
0x65: {  	_ =	shalt  }
0x66: {  	_ =	shalt  }
0x67: {  	_ =	shalt  }
0x68: {  	_ =	shalt  }
0x69: {  	_ =	shalt  }
0x6a: {  	_ =	shalt  }
0x6b: {  	_ =	shalt  }
0x6c: {  	_ =	shalt  }
0x6d: {  	_ =	shalt  }
0x6e: {  	_ =	shalt  }
0x6f: {  	_ =	shalt  }
0x70: {  	_ =	shalt  }
0x71: {  	_ =	shalt  }
0x72: {  	_ =	shalt  }
0x73: {  	_ =	shalt  }
0x74: {  	_ =	shalt  }
0x75: {  	_ =	shalt  }
0x76: {  	_ =	shalt  }
0x77: {  	_ =	shalt  }
0x78: {  	_ =	shalt  }
0x79: {  	_ =	shalt  }
0x7a: {  	_ =	shalt  }
0x7b: {  	_ =	shalt  }
0x7c: {  	_ =	shalt  }
0x7d: {  	_ =	shalt  }
0x7e: {  	_ =	shalt  }
0x7f: {  	_ =	shalt  }
0x80: {  	_ =	shalt  }
0x81: {  	_ =	shalt  }
0x82: {  	_ =	shalt  }
0x83: {  	_ =	shalt  }
0x84: {  	_ =	shalt  }
0x85: {  	_ =	shalt  }
0x86: {  	_ =	shalt  }
0x87: {  	_ =	shalt  }
.Lfunc_end0:
.L_simem_size_0:
called_computation_lowered:
.L_overlay_start_0:
0x88: {  	s2 =	sld [smem:$0x3FD9]  }
0x89: {  	s3 =	sld [smem:$0x3FFE];
	_ =	sdelay $0x1  }
0x8a: {  	s1 =	srdreg.scid  }
0x8b: {  	s0 =	sand.u32 $0x1, s1  }
0x8c: {  	s14 =	sshll.u32 s0, $0xA;
	s2 =	sadd.s32 s3, s2  }
0x8d: {  	s2 =	sadd.s32 s2, s14  }
0x8e: {  	[smem:$0x3FC6] =	sst s2  }
0x8f: {  	_ = 	snop  }
0x90: {  	s2 =	sld [smem:$0x3FD0];
	_ =	sdelay $0x2  }
0x91: {  	s15 =	simm.s32 $0xA;
	s4 =	simm.s32 $0x10  }
0x92: {  	[smem:s4], [sflag:s15] =	dma.local [hbm:s2], $0x1  }
0x93: {  	_ =	swait.eq [sflag:s15], $0x1  }
0x94: {  	[sflag:s15] =	ssyncset.done $0x0  }
0x95: {  	[sflag:s15] =	ssyncadd.s32 $0xFFFFFFFF  }
0x96: {  	s16 =	sld [smem:$0x11];
	(tm) =	ssettm $0x1  }
0x97: {  	s17 =	sld [smem:$0x3FFB];
	_ =	sdelay $0x3  }
0x98: {  	_ =	strace s17  }
0x99: {  	s3 =	sld [smem:$0x3FFC];
	_ =	sdelay $0x3  }
0x9a: {  	_ =	strace s3  }
0x9b: {  	s3 =	sld [smem:$0x3FFD];
	_ =	sdelay $0x3  }
0x9c: {  	_ =	strace s3  }
0x9d: {  	_ =	strace $0x8FFFFFFF  }
0x9e: {  	s18 =	sld [smem:$0x3FDB];
	_ =	sdelay $0x1  }
0x9f: {  	s19 =	simm.s32 $_scs_section_size  }
0xa0: {  	s5 =	simm.s32 $_size__tile_overlayer_lowered;
	s6 =	simm.s32 $_tile_overlayer_lowered  }
0xa1: {  	s22 =	simm.s32 $0x1BFF;
	s21 =	sshll.u32 s6, $0x1;
	s3 =	sadd.s32 s19, s18  }
0xa2: {  	s7 =	simm.s32 $0x0;
	s20 =	sshll.u32 s5, $0x1;
	s5 =	sadd.s32 s21, s3  }
0xa3: {  	[timem:s7], [sflag:s22] =	dma.local [hbm:s5], s20  }
0xa4: {  	_ =	swait.ge [sflag:s22], s20  }
0xa5: {  	s4 =	ssub.s32 $0x0, s20;
	[sflag:s22] =	ssyncset.done $0x0  }
0xa6: {  	[sflag:s22] =	ssyncadd.s32 s4;
	_ =	sdelay $0x1  }
0xa7: {  	s23 =	simm.s32 $0x1B8B  }
0xa8: {  	_ =	swait.ge [sflag:s23], $0x1  }
0xa9: {  	[sflag:s23] =	ssyncset.done $0x0  }
0xaa: {  	s25 =	simm.s32 $0x1B8E;
	s24 =	sld [smem:$0x3FFE];
	[sflag:s23] =	ssyncadd.s32 $0xFFFFFFFF  }
0xab: {  	s26 =	simm.s32 $execute0_lowered;
	[smem:$0x3FD2] =	sst s25  }
0xac: {  	s5 =	sshll.u32 s26, $0x1;
	_ =	strace $0x80000046;
	[dreg:$0x1] =	wrdreg $0xFFFFFFFF  }
0xad: {  	s28 =	simm.s32 $_size_execute0_lowered;
	s3 =	sadd.s32 s3, s5;
	[dreg:$0x0] =	wrdreg $0x0  }
0xae: {  	s5 =	sshll.u32 s28, $0x1;
	[dreg:$0x2] =	wrdreg s3  }
0xaf: {  	[dreg:$0x3] =	wrdreg s5  }
0xb0: {  	[dreg:$0x4] =	wrdreg $0xC0  }
0xb1: {  	_ =	task [dreg:s7], $0x5FFFF  }
0xb2: {  	[dreg:$0x1] =	wrdreg $0xFFFFFFFF  }
0xb3: {  	[dreg:$0x0] =	wrdreg $0x60  }
0xb4: {  	[dreg:$0x2] =	wrdreg s24  }
0xb5: {  	[dreg:$0x3] =	wrdreg s16  }
0xb6: {  	[dreg:$0x4] =	wrdreg $0x9  }
0xb7: {  	_ =	task.clear_ibuf [dreg:s7], $0x5FFFF;
	_ =	strace $0x90000046  }
0xb8: {  	s29 =	simm.s32 $0x9;
	_ =	strace $0x80000048  }
0xb9: {  	_ =	swait.ge [sflag:s29], $0x1  }
0xba: {  	[sflag:s29] =	ssyncadd.s32 $0xFFFFFFFF  }
0xbb: {  	_ =	strace $0x90000048  }
0xbc: {  	_ =	sfence  }
0xbd: {  	s30 =	sld [smem:$0x0];
	_ =	sdelay $0x2  }
0xbe: {  	s31 =	sshll.u32 s1, $0xD;
	s1 =	sshrl.u32 s1, $0x2  }
0xbf: {  	s3 =	sand.u32 $0x4000, s31;
	s1 =	sadd.s32 s1, s30  }
0xc0: {  	s0 =	sor.u32 s3, s0;
	s1 =	sshll.u32 s1, $0x11  }
0xc1: {  	s0 =	sor.u32 s1, s0  }
0xc2: {  	s0 =	sadd.s32 $0x8F2B, s0  }
0xc3: {  	[sflag:s0] =	ssyncadd.remote.s32 $0x1  }
0xc4: {  	_ =	sfence.sel $0xFFFF  }
0xc5: {  	[dreg:$0x0] =	wrdreg $0xFFFFFFFF;
	(pc) =	sbr.abs _section_cstart, $3  }
0xc6: {  	[dreg:$0x1] =	wrdreg $0xFFFFFFFF  }
0xc7: {  	_ =	task.clear_ibuf [dreg:s7], $0x2FFFF;
	_ =	strace $0x9FFFFFFF  }
0xc8: {  	(tm) =	ssettm $0x7FFFFFFF  }
0xc9: {  	_ =	shalt  }
tec
execute0_lowered:
.L_overlay_start_1:
0x0: {  	(tag) =	ssettag $0x1  }
0x1: {  	s3 =	rddreg [dreg:$0x0];
	s1 =	srdreg.scid  }
0x2: {  	s0 =	stileid.u32;
	s4 =	rddreg [dreg:$0x1];
	s5 =	sand.u32 $0x1, s1  }
0x3: {  	s2 =	sshll.u32 s0, $0x1;
	s1 =	rddreg [dreg:$0x2];
	s31 =	sshll.u32 s0, $0xA  }
0x4: {  	s6 =	sor.u32 s5, s2;
	s2 =	simm.s32 $0x0;
	s8 =	ssub.s32 $0x2, s5  }
0x5: {  	s9 =	sshll.u32 s5, $0x9;
	s7 =	sshll.u32 s6, $0x4;
	[smem:$0x7FF] =	sst s2  }
0x6: {  	s30 =	sshrl.u32 s8, $0x1;
	s6 =	sshll.u32 s6, $0xA;
	s3 =	sadd.s32 s7, s3  }
0x7: {  	_ =	strace $0x80000047;
	s7 =	ssub.s32 s8, s30;
	s4 =	sadd.s32 s4, s6  }
0x8: {  	s6 =	sor.u32 s9, s31;
	s8 =	simm.s32 $0x80;
	s9 =	simm.s32 $0x0  }
0x9: {  	s3 =	sadd.s32 $0x400, s3;
	s5 =	smax.u32 s7, $0x1;
	s7 =	simm.s32 $0x1  }
.LBB2_1:
0xa: {  	[tilespmem:s2], [sflag:$0x1] =	stream.linear.gather [hbm4b:s3+s2], $0x80, $0x38;
	[tilespmem:$0x2080] =	vst v63  }
0xb: {  	_ =	swait.ge [sflag:s7], $0x80  }
0xc: {  	[sflag:s7] =	ssyncset.done $0x0  }
0xd: {  	[sflag:s7] =	ssyncadd.s32 $0xFFFFFF80  }
0xe: {  	v0 =	vld [tilespmem:$0x0];
	_ =	sdelay $0x4  }
0xf: {  	s10 =	simm.s32 $0x40;
	s12 =	simm.s32 $0x0;
	s11 =	smov.u32 s6;
	v1 =	vadd.s32 s6, v0  }
.LBB2_2:
0x10: {  	p0 =	sne.s32 s10, $0x7FC0  }
0x11: {  	[tilespmem:s12+$0x80] =	vst v1;
	s11 =	sadd.s32 $0x1, s11;
	s12 =	smov.u32 s10;
	s10 =	sadd.s32 $0x40, s10  }
.Ltmp0:
0x12: {  	(pc) =	sbr.rel @p0 .LBB2_2-.Ltmp0, $2  }
0x13: {  	_ =	sdelay $0x2  }
0x14: {  	v1 =	vadd.s32 s11, v0;
	s12 =	sshra.s32 s12, $0x2  }
0x15: {  	s9 =	sadd.s32 $0x1, s9  }
0x16: {  	p0 =	sne.s32 s9, s5  }
.Ltmp1:
0x17: {  	[tilespmem:s12+$0x80] =	vst v1;
	(pc) =	sbr.rel @p0 .LBB2_1-.Ltmp1, $4  }
0x18: {  	[hbm4b:s4+s2] =	stream.linear.scatter [tilespmem:s8], [sflag:$0x1], $0x2000, $0x38;
	[tilespmem:$0x2080] =	vst v63  }
0x19: {  	_ =	swait.ge [sflag:s7], $0x2000  }
0x1a: {  	[sflag:s7] =	ssyncset.done $0x0  }
0x1b: {  	[sflag:s7] =	ssyncadd.s32 $0xFFFFE000  }
0x1c: {  	_ =	sfence.sel $0x180000  }
0x1d: {  	[bflag:$0x0] =	sbarrier.arrive $0xFFFF  }
0x1e: {  	p0 =	sne.s32 s0, $0x0;
	_ =	strace $0x90000047  }
0x1f: {  	s0 =	sadd.s32 @!p0 $0x100000, s1;
	[bflag:$0x2] =	sbarrier.arrive $0xFFFF  }
0x20: {  	[sflag:s0] =	ssyncadd.tile.s32 @!p0 $0x1;
	_ =	shalt  }
.Lfunc_end2:
_tile_overlayer_lowered:
.L_overlay_start_2:
0x21: {  	(tag) =	ssettag $0x2  }
0x22: {  	s0 =	rddreg [dreg:$0x0];
	s2 =	stileid.u32  }
0x23: {  	s1 =	rddreg [dreg:$0x1];
	p0 =	sne.s32 s2, $0x0  }
0x24: {  	s3 =	rddreg [dreg:$0x2];
	[bflag:$0x3] =	sbarrier.arrive $0xFFFF;
	s2 =	simm.s32 @!p0 $0x1C01  }
0x25: {  	[timem:s3], [sflag:s2] =	dma.local @!p0 [hbm:s0], s1  }
0x26: {  	s0 =	simm.s32 @!p0 $0x1  }
0x27: {  	_ =	swait.ge @!p0 [sflag:s0], s1  }
0x28: {  	s1 =	ssub.s32 @!p0 $0x0, s1;
	[sflag:s0] =	ssyncset.done @!p0 $0x0  }
0x29: {  	[sflag:s0] =	ssyncadd.s32 @!p0 s1  }
0x2a: {  	[bflag:$0x3] =	sbarrier.arrive $0xFFFF  }
0x2b: {  	_ =	shalt  }

</sc_bundles>
